<compile_context>
chip_gen: v7x
topology: tpu7x:2x2x1
jax: 0.10.2.dev20260603
libtpu: 0.0.44.dev20260713+nightly
codegen_flags: <defaults>
</compile_context>

<pallas_src>
import functools

import jax
import jax.numpy as jnp
from jax import lax
from jax.experimental import pallas as pl
from jax.experimental.pallas import tpu as pltpu
from jax.experimental.pallas import tpu_sc as plsc

NV = 50000
N_LIT = 2 * NV
N_CLAUSES = 200000
E = 1600000
INV_T = float(2.0 ** 1.2)

NCHUNK = E // 128
NW = 32
BASE_CH = NCHUNK // NW
EXTRA = NCHUNK - BASE_CH * NW
GE = 64
GEL = GE * 128
FULL_GROUPS = BASE_CH // GE
KK = FULL_GROUPS // 2

ACC = 200192
ACC_SL = ACC // 16
ZHALF = ACC_SL // 2
EMB_SL = 3120
EMB_CP = 3200


def _sc_body(emb_h, src_h, dst_h, out_h,
             lit_sp, num_sp, den_sp,
             embw, negw, zbuf,
             src_b0, src_b1, dst_b0, dst_b1,
             v_b0, v_b1, a_b0, a_b1, b_b0, b_b1,
             srct, dstt, v_row, a_row, b_row,
             gsem0, gsem1, ssem0, ssem1,
             srcsem0, srcsem1, dstsem0, dstsem1, zsem, esem):
    c = lax.axis_index("c")
    s = lax.axis_index("s")
    wid = c * 16 + s

    cb = wid * BASE_CH + jnp.minimum(wid, EXTRA)
    nch = jnp.where(wid < EXTRA, BASE_CH + 1, BASE_CH)
    eb = cb * 128

    def src_sl(g):
        return src_h.at[pl.ds(eb + g * GEL, GEL)]

    def dst_sl(g):
        return dst_h.at[pl.ds(eb + g * GEL, GEL)]

    pltpu.async_copy(src_sl(0), src_b0, srcsem0)
    pltpu.async_copy(src_sl(1), src_b1, srcsem1)
    pltpu.async_copy(dst_sl(0), dst_b0, dstsem0)
    pltpu.async_copy(emb_h.at[pl.ds(s * EMB_SL, EMB_CP)], embw, esem)

    def z16(i, _):
        zbuf[pl.ds(i * 16, 16)] = jnp.zeros((16,), jnp.float32)
        return _
    lax.fori_loop(0, ZHALF // 16, z16, None)
    zb = s * ACC_SL
    pltpu.async_copy(zbuf, num_sp.at[pl.ds(zb, ZHALF)], zsem)
    pltpu.async_copy(zbuf, num_sp.at[pl.ds(zb + ZHALF, ZHALF)], zsem)
    pltpu.async_copy(zbuf, den_sp.at[pl.ds(zb, ZHALF)], zsem)
    pltpu.async_copy(zbuf, den_sp.at[pl.ds(zb + ZHALF, ZHALF)], zsem)

    off = s * EMB_SL
    pltpu.make_async_copy(emb_h.at[pl.ds(off, EMB_CP)], embw, esem).wait()

    def neg(i, _):
        negw[pl.ds(i * 16, 16)] = 1.0 - embw[pl.ds(i * 16, 16)]
        return _
    lax.fori_loop(0, EMB_CP // 16, neg, None)
    pltpu.async_copy(embw, lit_sp.at[pl.ds(off, EMB_CP)], zsem)
    pltpu.async_copy(negw, lit_sp.at[pl.ds(NV + off, EMB_CP)], zsem)
    for _ in range(4):
        pltpu.make_async_copy(zbuf, num_sp.at[pl.ds(zb, ZHALF)], zsem).wait()
    pltpu.make_async_copy(embw, lit_sp.at[pl.ds(off, EMB_CP)], zsem).wait()
    pltpu.make_async_copy(negw, lit_sp.at[pl.ds(NV + off, EMB_CP)], zsem).wait()
    plsc.subcore_barrier()

    def compute(v_b, a_b, b_b):
        def cstep(i, _):
            for u in range(4):
                sl = pl.ds(i * 64 + u * 16, 16)
                v = v_b[sl]
                e = jnp.exp(v * INV_T)
                a_b[sl] = v * e
                b_b[sl] = e
            return _
        lax.fori_loop(0, GEL // 64, cstep, None)

    pltpu.make_async_copy(src_sl(0), src_b0, srcsem0).wait()
    pltpu.async_copy(lit_sp.at[src_b0], v_b0, gsem0)

    def body(k, _):
        g0 = k * 2
        pltpu.make_async_copy(lit_sp.at[src_b0], v_b0, gsem0).wait()

        @pl.when(k < KK - 1)
        def _():
            pltpu.async_copy(src_sl(g0 + 2), src_b0, srcsem0)
        pltpu.make_async_copy(src_sl(g0 + 1), src_b1, srcsem1).wait()
        pltpu.async_copy(lit_sp.at[src_b1], v_b1, gsem1)
        compute(v_b0, a_b0, b_b0)
        pltpu.make_async_copy(dst_sl(g0), dst_b0, dstsem0).wait()

        @pl.when(k > 0)
        def _():
            pltpu.make_async_copy(a_b1, num_sp.at[dst_b1], ssem1).wait()
            pltpu.make_async_copy(b_b1, den_sp.at[dst_b1], ssem1).wait()
        pltpu.async_copy(dst_sl(g0 + 1), dst_b1, dstsem1)
        pltpu.async_copy(a_b0, num_sp.at[dst_b0], ssem0, add=True)
        pltpu.async_copy(b_b0, den_sp.at[dst_b0], ssem0, add=True)

        pltpu.make_async_copy(lit_sp.at[src_b1], v_b1, gsem1).wait()

        @pl.when(k < KK - 1)
        def _():
            pltpu.async_copy(src_sl(g0 + 3), src_b1, srcsem1)
            pltpu.make_async_copy(src_sl(g0 + 2), src_b0, srcsem0).wait()
            pltpu.async_copy(lit_sp.at[src_b0], v_b0, gsem0)
        compute(v_b1, a_b1, b_b1)
        pltpu.make_async_copy(dst_sl(g0 + 1), dst_b1, dstsem1).wait()
        pltpu.make_async_copy(a_b0, num_sp.at[dst_b0], ssem0).wait()
        pltpu.make_async_copy(b_b0, den_sp.at[dst_b0], ssem0).wait()

        @pl.when(k < KK - 1)
        def _():
            pltpu.async_copy(dst_sl(g0 + 2), dst_b0, dstsem0)
        pltpu.async_copy(a_b1, num_sp.at[dst_b1], ssem1, add=True)
        pltpu.async_copy(b_b1, den_sp.at[dst_b1], ssem1, add=True)
        return _
    lax.fori_loop(0, KK, body, None)
    pltpu.make_async_copy(a_b1, num_sp.at[dst_b1], ssem1).wait()
    pltpu.make_async_copy(b_b1, den_sp.at[dst_b1], ssem1).wait()

    def tail(j, _):
        rb = eb + FULL_GROUPS * GEL + j * 128
        pltpu.sync_copy(src_h.at[pl.ds(rb, 128)], srct)
        pltpu.sync_copy(dst_h.at[pl.ds(rb, 128)], dstt)
        pltpu.sync_copy(lit_sp.at[srct], v_row)
        for i in range(8):
            sl = pl.ds(i * 16, 16)
            v = v_row[sl]
            e = jnp.exp(v * INV_T)
            a_row[sl] = v * e
            b_row[sl] = e
        pltpu.sync_copy(a_row, num_sp.at[dstt], add=True)
        pltpu.sync_copy(b_row, den_sp.at[dstt], add=True)
        return _
    lax.fori_loop(0, nch - FULL_GROUPS * GE, tail, None)
    plsc.subcore_barrier()

    wb = s * ACC_SL
    pltpu.sync_copy(num_sp.at[pl.ds(wb, ACC_SL)], out_h.at[c, 0, pl.ds(wb, ACC_SL)])
    pltpu.sync_copy(den_sp.at[pl.ds(wb, ACC_SL)], out_h.at[c, 1, pl.ds(wb, ACC_SL)])


_sc_edge_pass = functools.partial(
    pl.kernel,
    out_type=jax.ShapeDtypeStruct((2, 2, ACC), jnp.float32),
    mesh=plsc.VectorSubcoreMesh(core_axis_name="c", subcore_axis_name="s"),
    compiler_params=pltpu.CompilerParams(use_tc_tiling_on_sc=False),
    scratch_types=[
        pltpu.VMEM_SHARED((N_LIT,), jnp.float32),
        pltpu.VMEM_SHARED((ACC,), jnp.float32),
        pltpu.VMEM_SHARED((ACC,), jnp.float32),
        pltpu.VMEM((EMB_CP,), jnp.float32),
        pltpu.VMEM((EMB_CP,), jnp.float32),
        pltpu.VMEM((ZHALF,), jnp.float32),
        pltpu.VMEM((GEL,), jnp.int32),
        pltpu.VMEM((GEL,), jnp.int32),
        pltpu.VMEM((GEL,), jnp.int32),
        pltpu.VMEM((GEL,), jnp.int32),
        pltpu.VMEM((GEL,), jnp.float32),
        pltpu.VMEM((GEL,), jnp.float32),
        pltpu.VMEM((GEL,), jnp.float32),
        pltpu.VMEM((GEL,), jnp.float32),
        pltpu.VMEM((GEL,), jnp.float32),
        pltpu.VMEM((GEL,), jnp.float32),
        pltpu.VMEM((128,), jnp.int32),
        pltpu.VMEM((128,), jnp.int32),
        pltpu.VMEM((128,), jnp.float32),
        pltpu.VMEM((128,), jnp.float32),
        pltpu.VMEM((128,), jnp.float32),
        pltpu.SemaphoreType.DMA,
        pltpu.SemaphoreType.DMA,
        pltpu.SemaphoreType.DMA,
        pltpu.SemaphoreType.DMA,
        pltpu.SemaphoreType.DMA,
        pltpu.SemaphoreType.DMA,
        pltpu.SemaphoreType.DMA,
        pltpu.SemaphoreType.DMA,
        pltpu.SemaphoreType.DMA,
        pltpu.SemaphoreType.DMA,
    ],
)(_sc_body)


_FIN_ROWS = ACC // 128


def _fin_body(p_ref, o_ref):
    num = p_ref[0, 0] + p_ref[1, 0]
    den = p_ref[0, 1] + p_ref[1, 1]
    row = lax.broadcasted_iota(jnp.int32, (_FIN_ROWS, 128), 0)
    col = lax.broadcasted_iota(jnp.int32, (_FIN_ROWS, 128), 1)
    idx = row * 128 + col
    valid = idx < N_CLAUSES
    cval = jnp.where(valid & (den > 0), num / jnp.maximum(den, 1e-30), 0.0)
    w2 = jnp.where(valid, jnp.exp(-cval * INV_T), 0.0)
    o_ref[...] = (jnp.sum(cval * w2) / jnp.sum(w2)).reshape(1, 1)


_finalize = pl.pallas_call(
    _fin_body,
    out_shape=jax.ShapeDtypeStruct((1, 1), jnp.float32),
)


def kernel(emb, or_src, or_dst, epoch):
    del epoch
    part = _sc_edge_pass(emb, or_src, or_dst)
    res = _finalize(part.reshape(2, 2, _FIN_ROWS, 128))
    return res[0, 0]

# --- scband reference (transcript-rebuilt; emitter-appended) ---
"""Pipeline reference for scband-our-satbase-75385265979963 (READ-ONLY COPY).

The authoritative reference and input builder live on the scoring server;
editing this copy changes nothing except your own understanding.
"""

import jax, jax.numpy as jnp
import numpy as np

NV = 50000          # number of SAT variables
N_LIT = 2 * NV      # positive + negative literal nodes
N_CLAUSES = 200000  # OR-gate (clause) nodes
E = 1600000         # literal -> clause edges
EPS = 1.2           # temperature exponent (default in evaluate_circuit)


def setup_inputs(seed: int = 0) -> dict:
    key = jax.random.key(seed)
    k1, k2, k3 = jax.random.split(key, 3)
    # soft assignment for positive literals in [0, 1)
    emb = jax.random.uniform(k1, (NV,), dtype=jnp.float32)
    # edges from literal nodes to clause (OR) nodes
    or_src = jax.random.randint(k2, (E,), 0, N_LIT, dtype=jnp.int32)
    or_dst = jnp.sort(jax.random.randint(k3, (E,), 0, N_CLAUSES, dtype=jnp.int32))
    epoch = 2
    return {"emb": emb, "or_src": or_src, "or_dst": or_dst, "epoch": epoch}


def reference(emb, or_src, or_dst, epoch):
    # Faithful JAX translation of OurSATBase.evaluate_circuit (soft mode):
    # temperature schedule t = epoch ** (-eps)
    t = jnp.float32(2.0 ** (-EPS)) + 0.0 * jnp.asarray(epoch).astype(jnp.float32)
    # indicator semantics: ind==0 -> positive literal value emb,
    # ind==1 -> negated literal value 1 - emb (temporary[inds==1] = 1 - emb[inds==0])
    lit = jnp.concatenate([emb, 1.0 - emb], axis=0)  # [N_LIT]

    # ---- OR gates: gated values = adj(or) * emb ; soft-max aggregation per clause ----
    v = jnp.take(lit, or_src)                                   # gather literal values per edge
    vmax = jax.ops.segment_max(v, or_dst, num_segments=N_CLAUSES)
    # eps_shift = v - max  (<= 0); weights = exp(eps_shift / t)
    w = jnp.exp((v - jnp.take(vmax, or_dst)) / t)
    num = jax.ops.segment_sum(v * w, or_dst, num_segments=N_CLAUSES)
    den = jax.ops.segment_sum(w, or_dst, num_segments=N_CLAUSES)
    has_edge = den > 0
    clause_val = jnp.where(has_edge, num / jnp.maximum(den, 1e-30), 0.0)  # [N_CLAUSES]

    # ---- AND gate (root): soft-min aggregation over all clause outputs ----
    cmin = jnp.min(clause_val)
    w2 = jnp.exp(-(clause_val - cmin) / t)
    out = jnp.sum(clause_val * w2) / jnp.sum(w2)
    return out

if __name__ == "__main__":
    import jax
    _d = setup_inputs()
    print(jax.jit(kernel)(*tuple(_d.values())))

</pallas_src>

<mosaic_0001>
#map = affine_map<(d0, d1) -> (0)>
#map1 = affine_map<(d0, d1) -> (0, 0, 0)>
module attributes {stable_mosaic.version = 14 : i64} {
  func.func @_sc_body(%arg0: i32, %arg1: i32, %arg2: memref<50000xf32, #tpu.memory_space<hbm>>, %arg3: memref<1600000xi32, #tpu.memory_space<hbm>>, %arg4: memref<1600000xi32, #tpu.memory_space<hbm>>, %arg5: memref<2x2x200192xf32, #tpu.memory_space<hbm>>, %arg6: memref<100000xf32, #tpu.memory_space<vmem_shared>>, %arg7: memref<200192xf32, #tpu.memory_space<vmem_shared>>, %arg8: memref<200192xf32, #tpu.memory_space<vmem_shared>>, %arg9: memref<3200xf32, #tpu.memory_space<vmem>>, %arg10: memref<3200xf32, #tpu.memory_space<vmem>>, %arg11: memref<6256xf32, #tpu.memory_space<vmem>>, %arg12: memref<8192xi32, #tpu.memory_space<vmem>>, %arg13: memref<8192xi32, #tpu.memory_space<vmem>>, %arg14: memref<8192xi32, #tpu.memory_space<vmem>>, %arg15: memref<8192xi32, #tpu.memory_space<vmem>>, %arg16: memref<8192xf32, #tpu.memory_space<vmem>>, %arg17: memref<8192xf32, #tpu.memory_space<vmem>>, %arg18: memref<8192xf32, #tpu.memory_space<vmem>>, %arg19: memref<8192xf32, #tpu.memory_space<vmem>>, %arg20: memref<8192xf32, #tpu.memory_space<vmem>>, %arg21: memref<8192xf32, #tpu.memory_space<vmem>>, %arg22: memref<128xi32, #tpu.memory_space<vmem>>, %arg23: memref<128xi32, #tpu.memory_space<vmem>>, %arg24: memref<128xf32, #tpu.memory_space<vmem>>, %arg25: memref<128xf32, #tpu.memory_space<vmem>>, %arg26: memref<128xf32, #tpu.memory_space<vmem>>, %arg27: memref<!tpu.dma_semaphore, #tpu.memory_space<semaphore_mem>>, %arg28: memref<!tpu.dma_semaphore, #tpu.memory_space<semaphore_mem>>, %arg29: memref<!tpu.dma_semaphore, #tpu.memory_space<semaphore_mem>>, %arg30: memref<!tpu.dma_semaphore, #tpu.memory_space<semaphore_mem>>, %arg31: memref<!tpu.dma_semaphore, #tpu.memory_space<semaphore_mem>>, %arg32: memref<!tpu.dma_semaphore, #tpu.memory_space<semaphore_mem>>, %arg33: memref<!tpu.dma_semaphore, #tpu.memory_space<semaphore_mem>>, %arg34: memref<!tpu.dma_semaphore, #tpu.memory_space<semaphore_mem>>, %arg35: memref<!tpu.dma_semaphore, #tpu.memory_space<semaphore_mem>>, %arg36: memref<!tpu.dma_semaphore, #tpu.memory_space<semaphore_mem>>) attributes {dimension_semantics = [#tpu.dimension_semantics<core_parallel>, #tpu.dimension_semantics<subcore_parallel>], iteration_bounds = array<i64: 2, 16>, scalar_prefetch = 0 : i64, scratch_operands = 31 : i64, tpu.core_type = #tpu.core_type<sc_vector_subcore>, window_params = [{transform_indices = #map}, {transform_indices = #map}, {transform_indices = #map}, {transform_indices = #map1}]} {
    %mul3A = arith.constant 16 : i32
    %mul3A_0 = arith.muli %arg0, %mul3A : i32
    %add3A = arith.addi %mul3A_0, %arg1 : i32
    %mul3A_1 = arith.constant 390 : i32
    %mul3A_2 = arith.muli %add3A, %mul3A_1 : i32
    %min3A = arith.constant 20 : i32
    %min3A_3 = arith.minsi %add3A, %min3A : i32
    %add3A_4 = arith.addi %mul3A_2, %min3A_3 : i32
    %lt3A = arith.constant 20 : i32
    %lt3A_5 = arith.cmpi slt, %add3A, %lt3A : i32
    %jit3A = arith.constant 391 : i32
    %jit3A_6 = arith.constant 390 : i32
    %select_n3A = arith.select %lt3A_5, %jit3A, %jit3A_6 : i32
    %mul3A_7 = arith.constant 128 : i32
    %mul3A_8 = arith.muli %add3A_4, %mul3A_7 : i32
    %add3A_9 = arith.constant 0 : i32
    %add3A_10 = arith.addi %mul3A_8, %add3A_9 : i32
    %dma_start3A = tpu.memref_slice %arg3[%add3A_10] : memref<1600000xi32, #tpu.memory_space<hbm>> -> memref<8192xi32, #tpu.memory_space<hbm>>
    %dma_start3A_11 = tpu.memref_slice %arg3[%add3A_10] : memref<1600000xi32, #tpu.memory_space<hbm>> -> memref<8192xi32, #tpu.memory_space<hbm>>
    tpu.enqueue_dma source(%dma_start3A_11 : memref<8192xi32, #tpu.memory_space<hbm>>) target(%arg12 : memref<8192xi32, #tpu.memory_space<vmem>>) target_semaphore(%arg31 : memref<!tpu.dma_semaphore, #tpu.memory_space<semaphore_mem>>)
    %add3A_12 = arith.constant 8192 : i32
    %add3A_13 = arith.addi %mul3A_8, %add3A_12 : i32
    %dma_start3A_14 = tpu.memref_slice %arg3[%add3A_13] : memref<1600000xi32, #tpu.memory_space<hbm>> -> memref<8192xi32, #tpu.memory_space<hbm>>
    %dma_start3A_15 = tpu.memref_slice %arg3[%add3A_13] : memref<1600000xi32, #tpu.memory_space<hbm>> -> memref<8192xi32, #tpu.memory_space<hbm>>
    tpu.enqueue_dma source(%dma_start3A_15 : memref<8192xi32, #tpu.memory_space<hbm>>) target(%arg13 : memref<8192xi32, #tpu.memory_space<vmem>>) target_semaphore(%arg32 : memref<!tpu.dma_semaphore, #tpu.memory_space<semaphore_mem>>)
    %add3A_16 = arith.constant 0 : i32
    %add3A_17 = arith.addi %mul3A_8, %add3A_16 : i32
    %dma_start3A_18 = tpu.memref_slice %arg4[%add3A_17] : memref<1600000xi32, #tpu.memory_space<hbm>> -> memref<8192xi32, #tpu.memory_space<hbm>>
    %dma_start3A_19 = tpu.memref_slice %arg4[%add3A_17] : memref<1600000xi32, #tpu.memory_space<hbm>> -> memref<8192xi32, #tpu.memory_space<hbm>>
    tpu.enqueue_dma source(%dma_start3A_19 : memref<8192xi32, #tpu.memory_space<hbm>>) target(%arg14 : memref<8192xi32, #tpu.memory_space<vmem>>) target_semaphore(%arg33 : memref<!tpu.dma_semaphore, #tpu.memory_space<semaphore_mem>>)
    %mul3A_20 = arith.constant 3120 : i32
    %mul3A_21 = arith.muli %arg1, %mul3A_20 : i32
    %dma_start3A_22 = tpu.memref_slice %arg2[%mul3A_21] : memref<50000xf32, #tpu.memory_space<hbm>> -> memref<3200xf32, #tpu.memory_space<hbm>>
    %dma_start3A_23 = tpu.memref_slice %arg2[%mul3A_21] : memref<50000xf32, #tpu.memory_space<hbm>> -> memref<3200xf32, #tpu.memory_space<hbm>>
    tpu.enqueue_dma source(%dma_start3A_23 : memref<3200xf32, #tpu.memory_space<hbm>>) target(%arg9 : memref<3200xf32, #tpu.memory_space<vmem>>) target_semaphore(%arg36 : memref<!tpu.dma_semaphore, #tpu.memory_space<semaphore_mem>>)
    %scan3A = arith.constant 0 : i32
    %scan3A_24 = arith.constant 391 : i32
    %scan3A_25 = arith.addi %scan3A, %scan3A_24 : i32
    %scan3A_26 = arith.constant 1 : i32
    scf.for %scan3A_98 = %scan3A to %scan3A_25 step %scan3A_26  : i32 {
      %broadcast_in_dim3A = arith.constant 0.000000e+00 : f32
      %broadcast_in_dim3A_99 = vector.broadcast %broadcast_in_dim3A : f32 to vector<16xf32>
      %mul3A_100 = arith.constant 16 : i32
      %mul3A_101 = arith.muli %scan3A_98, %mul3A_100 : i32
      %swap3A = arith.index_cast %mul3A_101 : i32 to index
      %swap3A_102 = tpu.vector_load %arg11[%swap3A] {strides = array<i32>} : memref<6256xf32, #tpu.memory_space<vmem>>, vector<16xf32>,
      %swap3A_103 = vector.shape_cast %swap3A_102 : vector<16xf32> to vector<16xf32>
      %swap3A_104 = vector.shape_cast %broadcast_in_dim3A_99 : vector<16xf32> to vector<16xf32>
      tpu.vector_store %arg11[%swap3A], %swap3A_104 {strides = array<i32>} : memref<6256xf32, #tpu.memory_space<vmem>>, vector<16xf32>,
    }
    %scan3A_27 = arith.constant 391 : i32
    %mul3A_28 = arith.constant 12512 : i32
    %mul3A_29 = arith.muli %arg1, %mul3A_28 : i32
    %dma_start3A_30 = tpu.memref_slice %arg7[%mul3A_29] : memref<200192xf32, #tpu.memory_space<vmem_shared>> -> memref<6256xf32, #tpu.memory_space<vmem_shared>>
    %dma_start3A_31 = tpu.memref_slice %arg7[%mul3A_29] : memref<200192xf32, #tpu.memory_space<vmem_shared>> -> memref<6256xf32, #tpu.memory_space<vmem_shared>>
    tpu.enqueue_dma source(%arg11 : memref<6256xf32, #tpu.memory_space<vmem>>) target(%dma_start3A_31 : memref<6256xf32, #tpu.memory_space<vmem_shared>>) target_semaphore(%arg35 : memref<!tpu.dma_semaphore, #tpu.memory_space<semaphore_mem>>)
    %add3A_32 = arith.constant 6256 : i32
    %add3A_33 = arith.addi %mul3A_29, %add3A_32 : i32
    %dma_start3A_34 = tpu.memref_slice %arg7[%add3A_33] : memref<200192xf32, #tpu.memory_space<vmem_shared>> -> memref<6256xf32, #tpu.memory_space<vmem_shared>>
    %dma_start3A_35 = tpu.memref_slice %arg7[%add3A_33] : memref<200192xf32, #tpu.memory_space<vmem_shared>> -> memref<6256xf32, #tpu.memory_space<vmem_shared>>
    tpu.enqueue_dma source(%arg11 : memref<6256xf32, #tpu.memory_space<vmem>>) target(%dma_start3A_35 : memref<6256xf32, #tpu.memory_space<vmem_shared>>) target_semaphore(%arg35 : memref<!tpu.dma_semaphore, #tpu.memory_space<semaphore_mem>>)
    %dma_start3A_36 = tpu.memref_slice %arg8[%mul3A_29] : memref<200192xf32, #tpu.memory_space<vmem_shared>> -> memref<6256xf32, #tpu.memory_space<vmem_shared>>
    %dma_start3A_37 = tpu.memref_slice %arg8[%mul3A_29] : memref<200192xf32, #tpu.memory_space<vmem_shared>> -> memref<6256xf32, #tpu.memory_space<vmem_shared>>
    tpu.enqueue_dma source(%arg11 : memref<6256xf32, #tpu.memory_space<vmem>>) target(%dma_start3A_37 : memref<6256xf32, #tpu.memory_space<vmem_shared>>) target_semaphore(%arg35 : memref<!tpu.dma_semaphore, #tpu.memory_space<semaphore_mem>>)
    %add3A_38 = arith.constant 6256 : i32
    %add3A_39 = arith.addi %mul3A_29, %add3A_38 : i32
    %dma_start3A_40 = tpu.memref_slice %arg8[%add3A_39] : memref<200192xf32, #tpu.memory_space<vmem_shared>> -> memref<6256xf32, #tpu.memory_space<vmem_shared>>
    %dma_start3A_41 = tpu.memref_slice %arg8[%add3A_39] : memref<200192xf32, #tpu.memory_space<vmem_shared>> -> memref<6256xf32, #tpu.memory_space<vmem_shared>>
    tpu.enqueue_dma source(%arg11 : memref<6256xf32, #tpu.memory_space<vmem>>) target(%dma_start3A_41 : memref<6256xf32, #tpu.memory_space<vmem_shared>>) target_semaphore(%arg35 : memref<!tpu.dma_semaphore, #tpu.memory_space<semaphore_mem>>)
    %mul3A_42 = arith.constant 3120 : i32
    %mul3A_43 = arith.muli %arg1, %mul3A_42 : i32
    %dma_wait3A = tpu.memref_slice %arg2[%mul3A_43] : memref<50000xf32, #tpu.memory_space<hbm>> -> memref<3200xf32, #tpu.memory_space<hbm>>
    %dma_wait3A_44 = tpu.memref_slice %arg2[%mul3A_43] : memref<50000xf32, #tpu.memory_space<hbm>> -> memref<3200xf32, #tpu.memory_space<hbm>>
    tpu.wait_dma2 semaphore(%arg36 : memref<!tpu.dma_semaphore, #tpu.memory_space<semaphore_mem>>) src(%dma_wait3A_44 : memref<3200xf32, #tpu.memory_space<hbm>>) dst(%arg9 : memref<3200xf32, #tpu.memory_space<vmem>>)
    %scan3A_45 = arith.constant 0 : i32
    %scan3A_46 = arith.constant 200 : i32
    %scan3A_47 = arith.addi %scan3A_45, %scan3A_46 : i32
    %scan3A_48 = arith.constant 1 : i32
    scf.for %scan3A_98 = %scan3A_45 to %scan3A_47 step %scan3A_48  : i32 {
      %mul3A_99 = arith.constant 16 : i32
      %mul3A_100 = arith.muli %scan3A_98, %mul3A_99 : i32
      %get3A = arith.index_cast %mul3A_100 : i32 to index
      %get3A_101 = tpu.vector_load %arg9[%get3A] {strides = array<i32>} : memref<3200xf32, #tpu.memory_space<vmem>>, vector<16xf32>,
      %get3A_102 = vector.shape_cast %get3A_101 : vector<16xf32> to vector<16xf32>
      %sub3A_103 = arith.constant 1.000000e+00 : f32
      %sub3A_104 = vector.broadcast %sub3A_103 : f32 to vector<16xf32>
      %sub3A_105 = arith.subf %sub3A_104, %get3A_102 : vector<16xf32>
      %mul3A_106 = arith.constant 16 : i32
      %mul3A_107 = arith.muli %scan3A_98, %mul3A_106 : i32
      %swap3A = arith.index_cast %mul3A_107 : i32 to index
      %swap3A_108 = tpu.vector_load %arg10[%swap3A] {strides = array<i32>} : memref<3200xf32, #tpu.memory_space<vmem>>, vector<16xf32>,
      %swap3A_109 = vector.shape_cast %swap3A_108 : vector<16xf32> to vector<16xf32>
      %swap3A_110 = vector.shape_cast %sub3A_105 : vector<16xf32> to vector<16xf32>
      tpu.vector_store %arg10[%swap3A], %swap3A_110 {strides = array<i32>} : memref<3200xf32, #tpu.memory_space<vmem>>, vector<16xf32>,
    }
    %scan3A_49 = arith.constant 200 : i32
    %dma_start3A_50 = tpu.memref_slice %arg6[%mul3A_43] : memref<100000xf32, #tpu.memory_space<vmem_shared>> -> memref<3200xf32, #tpu.memory_space<vmem_shared>>
    %dma_start3A_51 = tpu.memref_slice %arg6[%mul3A_43] : memref<100000xf32, #tpu.memory_space<vmem_shared>> -> memref<3200xf32, #tpu.memory_space<vmem_shared>>
    tpu.enqueue_dma source(%arg9 : memref<3200xf32, #tpu.memory_space<vmem>>) target(%dma_start3A_51 : memref<3200xf32, #tpu.memory_space<vmem_shared>>) target_semaphore(%arg35 : memref<!tpu.dma_semaphore, #tpu.memory_space<semaphore_mem>>)
    %add3A_52 = arith.constant 50000 : i32
    %add3A_53 = arith.addi %add3A_52, %mul3A_43 : i32
    %dma_start3A_54 = tpu.memref_slice %arg6[%add3A_53] : memref<100000xf32, #tpu.memory_space<vmem_shared>> -> memref<3200xf32, #tpu.memory_space<vmem_shared>>
    %dma_start3A_55 = tpu.memref_slice %arg6[%add3A_53] : memref<100000xf32, #tpu.memory_space<vmem_shared>> -> memref<3200xf32, #tpu.memory_space<vmem_shared>>
    tpu.enqueue_dma source(%arg10 : memref<3200xf32, #tpu.memory_space<vmem>>) target(%dma_start3A_55 : memref<3200xf32, #tpu.memory_space<vmem_shared>>) target_semaphore(%arg35 : memref<!tpu.dma_semaphore, #tpu.memory_space<semaphore_mem>>)
    %dma_wait3A_56 = tpu.memref_slice %arg7[%mul3A_29] : memref<200192xf32, #tpu.memory_space<vmem_shared>> -> memref<6256xf32, #tpu.memory_space<vmem_shared>>
    %dma_wait3A_57 = tpu.memref_slice %arg7[%mul3A_29] : memref<200192xf32, #tpu.memory_space<vmem_shared>> -> memref<6256xf32, #tpu.memory_space<vmem_shared>>
    tpu.wait_dma2 semaphore(%arg35 : memref<!tpu.dma_semaphore, #tpu.memory_space<semaphore_mem>>) src(%arg11 : memref<6256xf32, #tpu.memory_space<vmem>>) dst(%dma_wait3A_57 : memref<6256xf32, #tpu.memory_space<vmem_shared>>)
    %dma_wait3A_58 = tpu.memref_slice %arg7[%mul3A_29] : memref<200192xf32, #tpu.memory_space<vmem_shared>> -> memref<6256xf32, #tpu.memory_space<vmem_shared>>
    %dma_wait3A_59 = tpu.memref_slice %arg7[%mul3A_29] : memref<200192xf32, #tpu.memory_space<vmem_shared>> -> memref<6256xf32, #tpu.memory_space<vmem_shared>>
    tpu.wait_dma2 semaphore(%arg35 : memref<!tpu.dma_semaphore, #tpu.memory_space<semaphore_mem>>) src(%arg11 : memref<6256xf32, #tpu.memory_space<vmem>>) dst(%dma_wait3A_59 : memref<6256xf32, #tpu.memory_space<vmem_shared>>)
    %dma_wait3A_60 = tpu.memref_slice %arg7[%mul3A_29] : memref<200192xf32, #tpu.memory_space<vmem_shared>> -> memref<6256xf32, #tpu.memory_space<vmem_shared>>
    %dma_wait3A_61 = tpu.memref_slice %arg7[%mul3A_29] : memref<200192xf32, #tpu.memory_space<vmem_shared>> -> memref<6256xf32, #tpu.memory_space<vmem_shared>>
    tpu.wait_dma2 semaphore(%arg35 : memref<!tpu.dma_semaphore, #tpu.memory_space<semaphore_mem>>) src(%arg11 : memref<6256xf32, #tpu.memory_space<vmem>>) dst(%dma_wait3A_61 : memref<6256xf32, #tpu.memory_space<vmem_shared>>)
    %dma_wait3A_62 = tpu.memref_slice %arg7[%mul3A_29] : memref<200192xf32, #tpu.memory_space<vmem_shared>> -> memref<6256xf32, #tpu.memory_space<vmem_shared>>
    %dma_wait3A_63 = tpu.memref_slice %arg7[%mul3A_29] : memref<200192xf32, #tpu.memory_space<vmem_shared>> -> memref<6256xf32, #tpu.memory_space<vmem_shared>>
    tpu.wait_dma2 semaphore(%arg35 : memref<!tpu.dma_semaphore, #tpu.memory_space<semaphore_mem>>) src(%arg11 : memref<6256xf32, #tpu.memory_space<vmem>>) dst(%dma_wait3A_63 : memref<6256xf32, #tpu.memory_space<vmem_shared>>)
    %dma_wait3A_64 = tpu.memref_slice %arg6[%mul3A_43] : memref<100000xf32, #tpu.memory_space<vmem_shared>> -> memref<3200xf32, #tpu.memory_space<vmem_shared>>
    %dma_wait3A_65 = tpu.memref_slice %arg6[%mul3A_43] : memref<100000xf32, #tpu.memory_space<vmem_shared>> -> memref<3200xf32, #tpu.memory_space<vmem_shared>>
    tpu.wait_dma2 semaphore(%arg35 : memref<!tpu.dma_semaphore, #tpu.memory_space<semaphore_mem>>) src(%arg9 : memref<3200xf32, #tpu.memory_space<vmem>>) dst(%dma_wait3A_65 : memref<3200xf32, #tpu.memory_space<vmem_shared>>)
    %add3A_66 = arith.constant 50000 : i32
    %add3A_67 = arith.addi %add3A_66, %mul3A_43 : i32
    %dma_wait3A_68 = tpu.memref_slice %arg6[%add3A_67] : memref<100000xf32, #tpu.memory_space<vmem_shared>> -> memref<3200xf32, #tpu.memory_space<vmem_shared>>
    %dma_wait3A_69 = tpu.memref_slice %arg6[%add3A_67] : memref<100000xf32, #tpu.memory_space<vmem_shared>> -> memref<3200xf32, #tpu.memory_space<vmem_shared>>
    tpu.wait_dma2 semaphore(%arg35 : memref<!tpu.dma_semaphore, #tpu.memory_space<semaphore_mem>>) src(%arg10 : memref<3200xf32, #tpu.memory_space<vmem>>) dst(%dma_wait3A_69 : memref<3200xf32, #tpu.memory_space<vmem_shared>>)
    %barrier3A = arith.constant 0 : index
    tpu.barrier barrier_id(%barrier3A)
    %add3A_70 = arith.constant 0 : i32
    %add3A_71 = arith.addi %mul3A_8, %add3A_70 : i32
    %dma_wait3A_72 = tpu.memref_slice %arg3[%add3A_71] : memref<1600000xi32, #tpu.memory_space<hbm>> -> memref<8192xi32, #tpu.memory_space<hbm>>
    %dma_wait3A_73 = tpu.memref_slice %arg3[%add3A_71] : memref<1600000xi32, #tpu.memory_space<hbm>> -> memref<8192xi32, #tpu.memory_space<hbm>>
    tpu.wait_dma2 semaphore(%arg31 : memref<!tpu.dma_semaphore, #tpu.memory_space<semaphore_mem>>) src(%dma_wait3A_73 : memref<8192xi32, #tpu.memory_space<hbm>>) dst(%arg12 : memref<8192xi32, #tpu.memory_space<vmem>>)
    %dma_start3A_74 = arith.constant 0 : i32
    %dma_start3A_75 = tpu.memref_slice %arg6[%dma_start3A_74] : memref<100000xf32, #tpu.memory_space<vmem_shared>> -> memref<100000xf32, #tpu.memory_space<vmem_shared>>
    tpu.enqueue_indirect_dma source(%dma_start3A_75 : memref<100000xf32, #tpu.memory_space<vmem_shared>>) target(%arg16 : memref<8192xf32, #tpu.memory_space<vmem>>) offsets(%arg12 : memref<8192xi32, #tpu.memory_space<vmem>>) semaphore(%arg27 : memref<!tpu.dma_semaphore, #tpu.memory_space<semaphore_mem>>)
    %scan3A_76 = arith.constant 0 : i32
    %scan3A_77 = arith.constant 3 : i32
    %scan3A_78 = arith.addi %scan3A_76, %scan3A_77 : i32
    %scan3A_79 = arith.constant 1 : i32
    scf.for %scan3A_98 = %scan3A_76 to %scan3A_78 step %scan3A_79  : i32 {
      %mul3A_99 = arith.constant 2 : i32
      %mul3A_100 = arith.muli %scan3A_98, %mul3A_99 : i32
      %dma_wait3A_101 = arith.constant 0 : i32
      %dma_wait3A_102 = tpu.memref_slice %arg6[%dma_wait3A_101] : memref<100000xf32, #tpu.memory_space<vmem_shared>> -> memref<100000xf32, #tpu.memory_space<vmem_shared>>
      tpu.wait_indirect_dma semaphore(%arg27 : memref<!tpu.dma_semaphore, #tpu.memory_space<semaphore_mem>>) src(%dma_wait3A_102 : memref<100000xf32, #tpu.memory_space<vmem_shared>>) dst(%arg16 : memref<8192xf32, #tpu.memory_space<vmem>>)
      %lt3A_103 = arith.constant 2 : i32
      %lt3A_104 = arith.cmpi slt, %scan3A_98, %lt3A_103 : i32
      %convert_element_type3A = arith.extui %lt3A_104 : i1 to i32
      %cond3A = arith.constant 0 : i32
      %cond3A_105 = arith.cmpi ne, %convert_element_type3A, %cond3A : i32
      scf.if %cond3A_105 {
        %add3A_172 = arith.constant 2 : i32
        %add3A_173 = arith.addi %mul3A_100, %add3A_172 : i32
        %mul3A_174 = arith.constant 8192 : i32
        %mul3A_175 = arith.muli %add3A_173, %mul3A_174 : i32
        %add3A_176 = arith.addi %mul3A_8, %mul3A_175 : i32
        %dma_start3A_177 = tpu.memref_slice %arg3[%add3A_176] : memref<1600000xi32, #tpu.memory_space<hbm>> -> memref<8192xi32, #tpu.memory_space<hbm>>
        %dma_start3A_178 = tpu.memref_slice %arg3[%add3A_176] : memref<1600000xi32, #tpu.memory_space<hbm>> -> memref<8192xi32, #tpu.memory_space<hbm>>
        tpu.enqueue_dma source(%dma_start3A_178 : memref<8192xi32, #tpu.memory_space<hbm>>) target(%arg12 : memref<8192xi32, #tpu.memory_space<vmem>>) target_semaphore(%arg31 : memref<!tpu.dma_semaphore, #tpu.memory_space<semaphore_mem>>)
      } else {
      }
      %add3A_106 = arith.constant 1 : i32
      %add3A_107 = arith.addi %mul3A_100, %add3A_106 : i32
      %mul3A_108 = arith.constant 8192 : i32
      %mul3A_109 = arith.muli %add3A_107, %mul3A_108 : i32
      %add3A_110 = arith.addi %mul3A_8, %mul3A_109 : i32
      %dma_wait3A_111 = tpu.memref_slice %arg3[%add3A_110] : memref<1600000xi32, #tpu.memory_space<hbm>> -> memref<8192xi32, #tpu.memory_space<hbm>>
      %dma_wait3A_112 = tpu.memref_slice %arg3[%add3A_110] : memref<1600000xi32, #tpu.memory_space<hbm>> -> memref<8192xi32, #tpu.memory_space<hbm>>
      tpu.wait_dma2 semaphore(%arg32 : memref<!tpu.dma_semaphore, #tpu.memory_space<semaphore_mem>>) src(%dma_wait3A_112 : memref<8192xi32, #tpu.memory_space<hbm>>) dst(%arg13 : memref<8192xi32, #tpu.memory_space<vmem>>)
      %dma_start3A_113 = arith.constant 0 : i32
      %dma_start3A_114 = tpu.memref_slice %arg6[%dma_start3A_113] : memref<100000xf32, #tpu.memory_space<vmem_shared>> -> memref<100000xf32, #tpu.memory_space<vmem_shared>>
      tpu.enqueue_indirect_dma source(%dma_start3A_114 : memref<100000xf32, #tpu.memory_space<vmem_shared>>) target(%arg17 : memref<8192xf32, #tpu.memory_space<vmem>>) offsets(%arg13 : memref<8192xi32, #tpu.memory_space<vmem>>) semaphore(%arg28 : memref<!tpu.dma_semaphore, #tpu.memory_space<semaphore_mem>>)
      %scan3A_115 = arith.constant 0 : i32
      %scan3A_116 = arith.constant 128 : i32
      %scan3A_117 = arith.addi %scan3A_115, %scan3A_116 : i32
      %scan3A_118 = arith.constant 1 : i32
      scf.for %scan3A_172 = %scan3A_115 to %scan3A_117 step %scan3A_118  : i32 {
        %mul3A_173 = arith.constant 64 : i32
        %mul3A_174 = arith.muli %scan3A_172, %mul3A_173 : i32
        %add3A_175 = arith.constant 0 : i32
        %add3A_176 = arith.addi %mul3A_174, %add3A_175 : i32
        %get3A = arith.index_cast %add3A_176 : i32 to index
        %get3A_177 = tpu.vector_load %arg16[%get3A] {strides = array<i32>} : memref<8192xf32, #tpu.memory_space<vmem>>, vector<16xf32>,
        %get3A_178 = vector.shape_cast %get3A_177 : vector<16xf32> to vector<16xf32>
        %mul3A_179 = arith.constant 2.29739666 : f32
        %mul3A_180 = vector.broadcast %mul3A_179 : f32 to vector<16xf32>
        %mul3A_181 = arith.mulf %get3A_178, %mul3A_180 : vector<16xf32>
        %exp3A = math.exp %mul3A_181 : vector<16xf32>
        %mul3A_182 = arith.mulf %get3A_178, %exp3A : vector<16xf32>
        %swap3A = arith.index_cast %add3A_176 : i32 to index
        %swap3A_183 = tpu.vector_load %arg18[%swap3A] {strides = array<i32>} : memref<8192xf32, #tpu.memory_space<vmem>>, vector<16xf32>,
        %swap3A_184 = vector.shape_cast %swap3A_183 : vector<16xf32> to vector<16xf32>
        %swap3A_185 = vector.shape_cast %mul3A_182 : vector<16xf32> to vector<16xf32>
        tpu.vector_store %arg18[%swap3A], %swap3A_185 {strides = array<i32>} : memref<8192xf32, #tpu.memory_space<vmem>>, vector<16xf32>,
        %swap3A_186 = arith.index_cast %add3A_176 : i32 to index
        %swap3A_187 = tpu.vector_load %arg20[%swap3A_186] {strides = array<i32>} : memref<8192xf32, #tpu.memory_space<vmem>>, vector<16xf32>,
        %swap3A_188 = vector.shape_cast %swap3A_187 : vector<16xf32> to vector<16xf32>
        %swap3A_189 = vector.shape_cast %exp3A : vector<16xf32> to vector<16xf32>
        tpu.vector_store %arg20[%swap3A_186], %swap3A_189 {strides = array<i32>} : memref<8192xf32, #tpu.memory_space<vmem>>, vector<16xf32>,
        %mul3A_190 = arith.constant 64 : i32
        %mul3A_191 = arith.muli %scan3A_172, %mul3A_190 : i32
        %add3A_192 = arith.constant 16 : i32
        %add3A_193 = arith.addi %mul3A_191, %add3A_192 : i32
        %get3A_194 = arith.index_cast %add3A_193 : i32 to index
        %get3A_195 = tpu.vector_load %arg16[%get3A_194] {strides = array<i32>} : memref<8192xf32, #tpu.memory_space<vmem>>, vector<16xf32>,
        %get3A_196 = vector.shape_cast %get3A_195 : vector<16xf32> to vector<16xf32>
        %mul3A_197 = arith.constant 2.29739666 : f32
        %mul3A_198 = vector.broadcast %mul3A_197 : f32 to vector<16xf32>
        %mul3A_199 = arith.mulf %get3A_196, %mul3A_198 : vector<16xf32>
        %exp3A_200 = math.exp %mul3A_199 : vector<16xf32>
        %mul3A_201 = arith.mulf %get3A_196, %exp3A_200 : vector<16xf32>
        %swap3A_202 = arith.index_cast %add3A_193 : i32 to index
        %swap3A_203 = tpu.vector_load %arg18[%swap3A_202] {strides = array<i32>} : memref<8192xf32, #tpu.memory_space<vmem>>, vector<16xf32>,
        %swap3A_204 = vector.shape_cast %swap3A_203 : vector<16xf32> to vector<16xf32>
        %swap3A_205 = vector.shape_cast %mul3A_201 : vector<16xf32> to vector<16xf32>
        tpu.vector_store %arg18[%swap3A_202], %swap3A_205 {strides = array<i32>} : memref<8192xf32, #tpu.memory_space<vmem>>, vector<16xf32>,
        %swap3A_206 = arith.index_cast %add3A_193 : i32 to index
        %swap3A_207 = tpu.vector_load %arg20[%swap3A_206] {strides = array<i32>} : memref<8192xf32, #tpu.memory_space<vmem>>, vector<16xf32>,
        %swap3A_208 = vector.shape_cast %swap3A_207 : vector<16xf32> to vector<16xf32>
        %swap3A_209 = vector.shape_cast %exp3A_200 : vector<16xf32> to vector<16xf32>
        tpu.vector_store %arg20[%swap3A_206], %swap3A_209 {strides = array<i32>} : memref<8192xf32, #tpu.memory_space<vmem>>, vector<16xf32>,
        %mul3A_210 = arith.constant 64 : i32
        %mul3A_211 = arith.muli %scan3A_172, %mul3A_210 : i32
        %add3A_212 = arith.constant 32 : i32
        %add3A_213 = arith.addi %mul3A_211, %add3A_212 : i32
        %get3A_214 = arith.index_cast %add3A_213 : i32 to index
        %get3A_215 = tpu.vector_load %arg16[%get3A_214] {strides = array<i32>} : memref<8192xf32, #tpu.memory_space<vmem>>, vector<16xf32>,
        %get3A_216 = vector.shape_cast %get3A_215 : vector<16xf32> to vector<16xf32>
        %mul3A_217 = arith.constant 2.29739666 : f32
        %mul3A_218 = vector.broadcast %mul3A_217 : f32 to vector<16xf32>
        %mul3A_219 = arith.mulf %get3A_216, %mul3A_218 : vector<16xf32>
        %exp3A_220 = math.exp %mul3A_219 : vector<16xf32>
        %mul3A_221 = arith.mulf %get3A_216, %exp3A_220 : vector<16xf32>
        %swap3A_222 = arith.index_cast %add3A_213 : i32 to index
        %swap3A_223 = tpu.vector_load %arg18[%swap3A_222] {strides = array<i32>} : memref<8192xf32, #tpu.memory_space<vmem>>, vector<16xf32>,
        %swap3A_224 = vector.shape_cast %swap3A_223 : vector<16xf32> to vector<16xf32>
        %swap3A_225 = vector.shape_cast %mul3A_221 : vector<16xf32> to vector<16xf32>
        tpu.vector_store %arg18[%swap3A_222], %swap3A_225 {strides = array<i32>} : memref<8192xf32, #tpu.memory_space<vmem>>, vector<16xf32>,
        %swap3A_226 = arith.index_cast %add3A_213 : i32 to index
        %swap3A_227 = tpu.vector_load %arg20[%swap3A_226] {strides = array<i32>} : memref<8192xf32, #tpu.memory_space<vmem>>, vector<16xf32>,
        %swap3A_228 = vector.shape_cast %swap3A_227 : vector<16xf32> to vector<16xf32>
        %swap3A_229 = vector.shape_cast %exp3A_220 : vector<16xf32> to vector<16xf32>
        tpu.vector_store %arg20[%swap3A_226], %swap3A_229 {strides = array<i32>} : memref<8192xf32, #tpu.memory_space<vmem>>, vector<16xf32>,
        %mul3A_230 = arith.constant 64 : i32
        %mul3A_231 = arith.muli %scan3A_172, %mul3A_230 : i32
        %add3A_232 = arith.constant 48 : i32
        %add3A_233 = arith.addi %mul3A_231, %add3A_232 : i32
        %get3A_234 = arith.index_cast %add3A_233 : i32 to index
        %get3A_235 = tpu.vector_load %arg16[%get3A_234] {strides = array<i32>} : memref<8192xf32, #tpu.memory_space<vmem>>, vector<16xf32>,
        %get3A_236 = vector.shape_cast %get3A_235 : vector<16xf32> to vector<16xf32>
        %mul3A_237 = arith.constant 2.29739666 : f32
        %mul3A_238 = vector.broadcast %mul3A_237 : f32 to vector<16xf32>
        %mul3A_239 = arith.mulf %get3A_236, %mul3A_238 : vector<16xf32>
        %exp3A_240 = math.exp %mul3A_239 : vector<16xf32>
        %mul3A_241 = arith.mulf %get3A_236, %exp3A_240 : vector<16xf32>
        %swap3A_242 = arith.index_cast %add3A_233 : i32 to index
        %swap3A_243 = tpu.vector_load %arg18[%swap3A_242] {strides = array<i32>} : memref<8192xf32, #tpu.memory_space<vmem>>, vector<16xf32>,
        %swap3A_244 = vector.shape_cast %swap3A_243 : vector<16xf32> to vector<16xf32>
        %swap3A_245 = vector.shape_cast %mul3A_241 : vector<16xf32> to vector<16xf32>
        tpu.vector_store %arg18[%swap3A_242], %swap3A_245 {strides = array<i32>} : memref<8192xf32, #tpu.memory_space<vmem>>, vector<16xf32>,
        %swap3A_246 = arith.index_cast %add3A_233 : i32 to index
        %swap3A_247 = tpu.vector_load %arg20[%swap3A_246] {strides = array<i32>} : memref<8192xf32, #tpu.memory_space<vmem>>, vector<16xf32>,
        %swap3A_248 = vector.shape_cast %swap3A_247 : vector<16xf32> to vector<16xf32>
        %swap3A_249 = vector.shape_cast %exp3A_240 : vector<16xf32> to vector<16xf32>
        tpu.vector_store %arg20[%swap3A_246], %swap3A_249 {strides = array<i32>} : memref<8192xf32, #tpu.memory_space<vmem>>, vector<16xf32>,
      }
      %scan3A_119 = arith.constant 128 : i32
      %mul3A_120 = arith.constant 8192 : i32
      %mul3A_121 = arith.muli %mul3A_100, %mul3A_120 : i32
      %add3A_122 = arith.addi %mul3A_8, %mul3A_121 : i32
      %dma_wait3A_123 = tpu.memref_slice %arg4[%add3A_122] : memref<1600000xi32, #tpu.memory_space<hbm>> -> memref<8192xi32, #tpu.memory_space<hbm>>
      %dma_wait3A_124 = tpu.memref_slice %arg4[%add3A_122] : memref<1600000xi32, #tpu.memory_space<hbm>> -> memref<8192xi32, #tpu.memory_space<hbm>>
      tpu.wait_dma2 semaphore(%arg33 : memref<!tpu.dma_semaphore, #tpu.memory_space<semaphore_mem>>) src(%dma_wait3A_124 : memref<8192xi32, #tpu.memory_space<hbm>>) dst(%arg14 : memref<8192xi32, #tpu.memory_space<vmem>>)
      %gt3A = arith.constant 0 : i32
      %gt3A_125 = arith.cmpi sgt, %scan3A_98, %gt3A : i32
      %convert_element_type3A_126 = arith.extui %gt3A_125 : i1 to i32
      %cond3A_127 = arith.constant 0 : i32
      %cond3A_128 = arith.cmpi ne, %convert_element_type3A_126, %cond3A_127 : i32
      scf.if %cond3A_128 {
        %dma_wait3A_172 = arith.constant 0 : i32
        %dma_wait3A_173 = tpu.memref_slice %arg7[%dma_wait3A_172] : memref<200192xf32, #tpu.memory_space<vmem_shared>> -> memref<200192xf32, #tpu.memory_space<vmem_shared>>
        tpu.wait_indirect_dma semaphore(%arg30 : memref<!tpu.dma_semaphore, #tpu.memory_space<semaphore_mem>>) src(%arg19 : memref<8192xf32, #tpu.memory_space<vmem>>) dst(%dma_wait3A_173 : memref<200192xf32, #tpu.memory_space<vmem_shared>>)
        %dma_wait3A_174 = arith.constant 0 : i32
        %dma_wait3A_175 = tpu.memref_slice %arg8[%dma_wait3A_174] : memref<200192xf32, #tpu.memory_space<vmem_shared>> -> memref<200192xf32, #tpu.memory_space<vmem_shared>>
        tpu.wait_indirect_dma semaphore(%arg30 : memref<!tpu.dma_semaphore, #tpu.memory_space<semaphore_mem>>) src(%arg21 : memref<8192xf32, #tpu.memory_space<vmem>>) dst(%dma_wait3A_175 : memref<200192xf32, #tpu.memory_space<vmem_shared>>)
      } else {
      }
      %add3A_129 = arith.constant 1 : i32
      %add3A_130 = arith.addi %mul3A_100, %add3A_129 : i32
      %mul3A_131 = arith.constant 8192 : i32
      %mul3A_132 = arith.muli %add3A_130, %mul3A_131 : i32
      %add3A_133 = arith.addi %mul3A_8, %mul3A_132 : i32
      %dma_start3A_134 = tpu.memref_slice %arg4[%add3A_133] : memref<1600000xi32, #tpu.memory_space<hbm>> -> memref<8192xi32, #tpu.memory_space<hbm>>
      %dma_start3A_135 = tpu.memref_slice %arg4[%add3A_133] : memref<1600000xi32, #tpu.memory_space<hbm>> -> memref<8192xi32, #tpu.memory_space<hbm>>
      tpu.enqueue_dma source(%dma_start3A_135 : memref<8192xi32, #tpu.memory_space<hbm>>) target(%arg15 : memref<8192xi32, #tpu.memory_space<vmem>>) target_semaphore(%arg34 : memref<!tpu.dma_semaphore, #tpu.memory_space<semaphore_mem>>)
      %dma_start3A_136 = arith.constant 0 : i32
      %dma_start3A_137 = tpu.memref_slice %arg7[%dma_start3A_136] : memref<200192xf32, #tpu.memory_space<vmem_shared>> -> memref<200192xf32, #tpu.memory_space<vmem_shared>>
      tpu.enqueue_indirect_dma source(%arg18 : memref<8192xf32, #tpu.memory_space<vmem>>) target(%dma_start3A_137 : memref<200192xf32, #tpu.memory_space<vmem_shared>>) offsets(%arg14 : memref<8192xi32, #tpu.memory_space<vmem>>) semaphore(%arg29 : memref<!tpu.dma_semaphore, #tpu.memory_space<semaphore_mem>>) {add = true}
      %dma_start3A_138 = arith.constant 0 : i32
      %dma_start3A_139 = tpu.memref_slice %arg8[%dma_start3A_138] : memref<200192xf32, #tpu.memory_space<vmem_shared>> -> memref<200192xf32, #tpu.memory_space<vmem_shared>>
      tpu.enqueue_indirect_dma source(%arg20 : memref<8192xf32, #tpu.memory_space<vmem>>) target(%dma_start3A_139 : memref<200192xf32, #tpu.memory_space<vmem_shared>>) offsets(%arg14 : memref<8192xi32, #tpu.memory_space<vmem>>) semaphore(%arg29 : memref<!tpu.dma_semaphore, #tpu.memory_space<semaphore_mem>>) {add = true}
      %dma_wait3A_140 = arith.constant 0 : i32
      %dma_wait3A_141 = tpu.memref_slice %arg6[%dma_wait3A_140] : memref<100000xf32, #tpu.memory_space<vmem_shared>> -> memref<100000xf32, #tpu.memory_space<vmem_shared>>
      tpu.wait_indirect_dma semaphore(%arg28 : memref<!tpu.dma_semaphore, #tpu.memory_space<semaphore_mem>>) src(%dma_wait3A_141 : memref<100000xf32, #tpu.memory_space<vmem_shared>>) dst(%arg17 : memref<8192xf32, #tpu.memory_space<vmem>>)
      %lt3A_142 = arith.constant 2 : i32
      %lt3A_143 = arith.cmpi slt, %scan3A_98, %lt3A_142 : i32
      %convert_element_type3A_144 = arith.extui %lt3A_143 : i1 to i32
      %cond3A_145 = arith.constant 0 : i32
      %cond3A_146 = arith.cmpi ne, %convert_element_type3A_144, %cond3A_145 : i32
      scf.if %cond3A_146 {
        %add3A_172 = arith.constant 3 : i32
        %add3A_173 = arith.addi %mul3A_100, %add3A_172 : i32
        %mul3A_174 = arith.constant 8192 : i32
        %mul3A_175 = arith.muli %add3A_173, %mul3A_174 : i32
        %add3A_176 = arith.addi %mul3A_8, %mul3A_175 : i32
        %dma_start3A_177 = tpu.memref_slice %arg3[%add3A_176] : memref<1600000xi32, #tpu.memory_space<hbm>> -> memref<8192xi32, #tpu.memory_space<hbm>>
        %dma_start3A_178 = tpu.memref_slice %arg3[%add3A_176] : memref<1600000xi32, #tpu.memory_space<hbm>> -> memref<8192xi32, #tpu.memory_space<hbm>>
        tpu.enqueue_dma source(%dma_start3A_178 : memref<8192xi32, #tpu.memory_space<hbm>>) target(%arg13 : memref<8192xi32, #tpu.memory_space<vmem>>) target_semaphore(%arg32 : memref<!tpu.dma_semaphore, #tpu.memory_space<semaphore_mem>>)
        %add3A_179 = arith.constant 2 : i32
        %add3A_180 = arith.addi %mul3A_100, %add3A_179 : i32
        %mul3A_181 = arith.constant 8192 : i32
        %mul3A_182 = arith.muli %add3A_180, %mul3A_181 : i32
        %add3A_183 = arith.addi %mul3A_8, %mul3A_182 : i32
        %dma_wait3A_184 = tpu.memref_slice %arg3[%add3A_183] : memref<1600000xi32, #tpu.memory_space<hbm>> -> memref<8192xi32, #tpu.memory_space<hbm>>
        %dma_wait3A_185 = tpu.memref_slice %arg3[%add3A_183] : memref<1600000xi32, #tpu.memory_space<hbm>> -> memref<8192xi32, #tpu.memory_space<hbm>>
        tpu.wait_dma2 semaphore(%arg31 : memref<!tpu.dma_semaphore, #tpu.memory_space<semaphore_mem>>) src(%dma_wait3A_185 : memref<8192xi32, #tpu.memory_space<hbm>>) dst(%arg12 : memref<8192xi32, #tpu.memory_space<vmem>>)
        %dma_start3A_186 = arith.constant 0 : i32
        %dma_start3A_187 = tpu.memref_slice %arg6[%dma_start3A_186] : memref<100000xf32, #tpu.memory_space<vmem_shared>> -> memref<100000xf32, #tpu.memory_space<vmem_shared>>
        tpu.enqueue_indirect_dma source(%dma_start3A_187 : memref<100000xf32, #tpu.memory_space<vmem_shared>>) target(%arg16 : memref<8192xf32, #tpu.memory_space<vmem>>) offsets(%arg12 : memref<8192xi32, #tpu.memory_space<vmem>>) semaphore(%arg27 : memref<!tpu.dma_semaphore, #tpu.memory_space<semaphore_mem>>)
      } else {
      }
      %scan3A_147 = arith.constant 0 : i32
      %scan3A_148 = arith.constant 128 : i32
      %scan3A_149 = arith.addi %scan3A_147, %scan3A_148 : i32
      %scan3A_150 = arith.constant 1 : i32
      scf.for %scan3A_172 = %scan3A_147 to %scan3A_149 step %scan3A_150  : i32 {
        %mul3A_173 = arith.constant 64 : i32
        %mul3A_174 = arith.muli %scan3A_172, %mul3A_173 : i32
        %add3A_175 = arith.constant 0 : i32
        %add3A_176 = arith.addi %mul3A_174, %add3A_175 : i32
        %get3A = arith.index_cast %add3A_176 : i32 to index
        %get3A_177 = tpu.vector_load %arg17[%get3A] {strides = array<i32>} : memref<8192xf32, #tpu.memory_space<vmem>>, vector<16xf32>,
        %get3A_178 = vector.shape_cast %get3A_177 : vector<16xf32> to vector<16xf32>
        %mul3A_179 = arith.constant 2.29739666 : f32
        %mul3A_180 = vector.broadcast %mul3A_179 : f32 to vector<16xf32>
        %mul3A_181 = arith.mulf %get3A_178, %mul3A_180 : vector<16xf32>
        %exp3A = math.exp %mul3A_181 : vector<16xf32>
        %mul3A_182 = arith.mulf %get3A_178, %exp3A : vector<16xf32>
        %swap3A = arith.index_cast %add3A_176 : i32 to index
        %swap3A_183 = tpu.vector_load %arg19[%swap3A] {strides = array<i32>} : memref<8192xf32, #tpu.memory_space<vmem>>, vector<16xf32>,
        %swap3A_184 = vector.shape_cast %swap3A_183 : vector<16xf32> to vector<16xf32>
        %swap3A_185 = vector.shape_cast %mul3A_182 : vector<16xf32> to vector<16xf32>
        tpu.vector_store %arg19[%swap3A], %swap3A_185 {strides = array<i32>} : memref<8192xf32, #tpu.memory_space<vmem>>, vector<16xf32>,
        %swap3A_186 = arith.index_cast %add3A_176 : i32 to index
        %swap3A_187 = tpu.vector_load %arg21[%swap3A_186] {strides = array<i32>} : memref<8192xf32, #tpu.memory_space<vmem>>, vector<16xf32>,
        %swap3A_188 = vector.shape_cast %swap3A_187 : vector<16xf32> to vector<16xf32>
        %swap3A_189 = vector.shape_cast %exp3A : vector<16xf32> to vector<16xf32>
        tpu.vector_store %arg21[%swap3A_186], %swap3A_189 {strides = array<i32>} : memref<8192xf32, #tpu.memory_space<vmem>>, vector<16xf32>,
        %mul3A_190 = arith.constant 64 : i32
        %mul3A_191 = arith.muli %scan3A_172, %mul3A_190 : i32
        %add3A_192 = arith.constant 16 : i32
        %add3A_193 = arith.addi %mul3A_191, %add3A_192 : i32
        %get3A_194 = arith.index_cast %add3A_193 : i32 to index
        %get3A_195 = tpu.vector_load %arg17[%get3A_194] {strides = array<i32>} : memref<8192xf32, #tpu.memory_space<vmem>>, vector<16xf32>,
        %get3A_196 = vector.shape_cast %get3A_195 : vector<16xf32> to vector<16xf32>
        %mul3A_197 = arith.constant 2.29739666 : f32
        %mul3A_198 = vector.broadcast %mul3A_197 : f32 to vector<16xf32>
        %mul3A_199 = arith.mulf %get3A_196, %mul3A_198 : vector<16xf32>
        %exp3A_200 = math.exp %mul3A_199 : vector<16xf32>
        %mul3A_201 = arith.mulf %get3A_196, %exp3A_200 : vector<16xf32>
        %swap3A_202 = arith.index_cast %add3A_193 : i32 to index
        %swap3A_203 = tpu.vector_load %arg19[%swap3A_202] {strides = array<i32>} : memref<8192xf32, #tpu.memory_space<vmem>>, vector<16xf32>,
        %swap3A_204 = vector.shape_cast %swap3A_203 : vector<16xf32> to vector<16xf32>
        %swap3A_205 = vector.shape_cast %mul3A_201 : vector<16xf32> to vector<16xf32>
        tpu.vector_store %arg19[%swap3A_202], %swap3A_205 {strides = array<i32>} : memref<8192xf32, #tpu.memory_space<vmem>>, vector<16xf32>,
        %swap3A_206 = arith.index_cast %add3A_193 : i32 to index
        %swap3A_207 = tpu.vector_load %arg21[%swap3A_206] {strides = array<i32>} : memref<8192xf32, #tpu.memory_space<vmem>>, vector<16xf32>,
        %swap3A_208 = vector.shape_cast %swap3A_207 : vector<16xf32> to vector<16xf32>
        %swap3A_209 = vector.shape_cast %exp3A_200 : vector<16xf32> to vector<16xf32>
        tpu.vector_store %arg21[%swap3A_206], %swap3A_209 {strides = array<i32>} : memref<8192xf32, #tpu.memory_space<vmem>>, vector<16xf32>,
        %mul3A_210 = arith.constant 64 : i32
        %mul3A_211 = arith.muli %scan3A_172, %mul3A_210 : i32
        %add3A_212 = arith.constant 32 : i32
        %add3A_213 = arith.addi %mul3A_211, %add3A_212 : i32
        %get3A_214 = arith.index_cast %add3A_213 : i32 to index
        %get3A_215 = tpu.vector_load %arg17[%get3A_214] {strides = array<i32>} : memref<8192xf32, #tpu.memory_space<vmem>>, vector<16xf32>,
        %get3A_216 = vector.shape_cast %get3A_215 : vector<16xf32> to vector<16xf32>
        %mul3A_217 = arith.constant 2.29739666 : f32
        %mul3A_218 = vector.broadcast %mul3A_217 : f32 to vector<16xf32>
        %mul3A_219 = arith.mulf %get3A_216, %mul3A_218 : vector<16xf32>
        %exp3A_220 = math.exp %mul3A_219 : vector<16xf32>
        %mul3A_221 = arith.mulf %get3A_216, %exp3A_220 : vector<16xf32>
        %swap3A_222 = arith.index_cast %add3A_213 : i32 to index
        %swap3A_223 = tpu.vector_load %arg19[%swap3A_222] {strides = array<i32>} : memref<8192xf32, #tpu.memory_space<vmem>>, vector<16xf32>,
        %swap3A_224 = vector.shape_cast %swap3A_223 : vector<16xf32> to vector<16xf32>
        %swap3A_225 = vector.shape_cast %mul3A_221 : vector<16xf32> to vector<16xf32>
        tpu.vector_store %arg19[%swap3A_222], %swap3A_225 {strides = array<i32>} : memref<8192xf32, #tpu.memory_space<vmem>>, vector<16xf32>,
        %swap3A_226 = arith.index_cast %add3A_213 : i32 to index
        %swap3A_227 = tpu.vector_load %arg21[%swap3A_226] {strides = array<i32>} : memref<8192xf32, #tpu.memory_space<vmem>>, vector<16xf32>,
        %swap3A_228 = vector.shape_cast %swap3A_227 : vector<16xf32> to vector<16xf32>
        %swap3A_229 = vector.shape_cast %exp3A_220 : vector<16xf32> to vector<16xf32>
        tpu.vector_store %arg21[%swap3A_226], %swap3A_229 {strides = array<i32>} : memref<8192xf32, #tpu.memory_space<vmem>>, vector<16xf32>,
        %mul3A_230 = arith.constant 64 : i32
        %mul3A_231 = arith.muli %scan3A_172, %mul3A_230 : i32
        %add3A_232 = arith.constant 48 : i32
        %add3A_233 = arith.addi %mul3A_231, %add3A_232 : i32
        %get3A_234 = arith.index_cast %add3A_233 : i32 to index
        %get3A_235 = tpu.vector_load %arg17[%get3A_234] {strides = array<i32>} : memref<8192xf32, #tpu.memory_space<vmem>>, vector<16xf32>,
        %get3A_236 = vector.shape_cast %get3A_235 : vector<16xf32> to vector<16xf32>
        %mul3A_237 = arith.constant 2.29739666 : f32
        %mul3A_238 = vector.broadcast %mul3A_237 : f32 to vector<16xf32>
        %mul3A_239 = arith.mulf %get3A_236, %mul3A_238 : vector<16xf32>
        %exp3A_240 = math.exp %mul3A_239 : vector<16xf32>
        %mul3A_241 = arith.mulf %get3A_236, %exp3A_240 : vector<16xf32>
        %swap3A_242 = arith.index_cast %add3A_233 : i32 to index
        %swap3A_243 = tpu.vector_load %arg19[%swap3A_242] {strides = array<i32>} : memref<8192xf32, #tpu.memory_space<vmem>>, vector<16xf32>,
        %swap3A_244 = vector.shape_cast %swap3A_243 : vector<16xf32> to vector<16xf32>
        %swap3A_245 = vector.shape_cast %mul3A_241 : vector<16xf32> to vector<16xf32>
        tpu.vector_store %arg19[%swap3A_242], %swap3A_245 {strides = array<i32>} : memref<8192xf32, #tpu.memory_space<vmem>>, vector<16xf32>,
        %swap3A_246 = arith.index_cast %add3A_233 : i32 to index
        %swap3A_247 = tpu.vector_load %arg21[%swap3A_246] {strides = array<i32>} : memref<8192xf32, #tpu.memory_space<vmem>>, vector<16xf32>,
        %swap3A_248 = vector.shape_cast %swap3A_247 : vector<16xf32> to vector<16xf32>
        %swap3A_249 = vector.shape_cast %exp3A_240 : vector<16xf32> to vector<16xf32>
        tpu.vector_store %arg21[%swap3A_246], %swap3A_249 {strides = array<i32>} : memref<8192xf32, #tpu.memory_space<vmem>>, vector<16xf32>,
      }
      %scan3A_151 = arith.constant 128 : i32
      %add3A_152 = arith.constant 1 : i32
      %add3A_153 = arith.addi %mul3A_100, %add3A_152 : i32
      %mul3A_154 = arith.constant 8192 : i32
      %mul3A_155 = arith.muli %add3A_153, %mul3A_154 : i32
      %add3A_156 = arith.addi %mul3A_8, %mul3A_155 : i32
      %dma_wait3A_157 = tpu.memref_slice %arg4[%add3A_156] : memref<1600000xi32, #tpu.memory_space<hbm>> -> memref<8192xi32, #tpu.memory_space<hbm>>
      %dma_wait3A_158 = tpu.memref_slice %arg4[%add3A_156] : memref<1600000xi32, #tpu.memory_space<hbm>> -> memref<8192xi32, #tpu.memory_space<hbm>>
      tpu.wait_dma2 semaphore(%arg34 : memref<!tpu.dma_semaphore, #tpu.memory_space<semaphore_mem>>) src(%dma_wait3A_158 : memref<8192xi32, #tpu.memory_space<hbm>>) dst(%arg15 : memref<8192xi32, #tpu.memory_space<vmem>>)
      %dma_wait3A_159 = arith.constant 0 : i32
      %dma_wait3A_160 = tpu.memref_slice %arg7[%dma_wait3A_159] : memref<200192xf32, #tpu.memory_space<vmem_shared>> -> memref<200192xf32, #tpu.memory_space<vmem_shared>>
      tpu.wait_indirect_dma semaphore(%arg29 : memref<!tpu.dma_semaphore, #tpu.memory_space<semaphore_mem>>) src(%arg18 : memref<8192xf32, #tpu.memory_space<vmem>>) dst(%dma_wait3A_160 : memref<200192xf32, #tpu.memory_space<vmem_shared>>)
      %dma_wait3A_161 = arith.constant 0 : i32
      %dma_wait3A_162 = tpu.memref_slice %arg8[%dma_wait3A_161] : memref<200192xf32, #tpu.memory_space<vmem_shared>> -> memref<200192xf32, #tpu.memory_space<vmem_shared>>
      tpu.wait_indirect_dma semaphore(%arg29 : memref<!tpu.dma_semaphore, #tpu.memory_space<semaphore_mem>>) src(%arg20 : memref<8192xf32, #tpu.memory_space<vmem>>) dst(%dma_wait3A_162 : memref<200192xf32, #tpu.memory_space<vmem_shared>>)
      %lt3A_163 = arith.constant 2 : i32
      %lt3A_164 = arith.cmpi slt, %scan3A_98, %lt3A_163 : i32
      %convert_element_type3A_165 = arith.extui %lt3A_164 : i1 to i32
      %cond3A_166 = arith.constant 0 : i32
      %cond3A_167 = arith.cmpi ne, %convert_element_type3A_165, %cond3A_166 : i32
      scf.if %cond3A_167 {
        %add3A_172 = arith.constant 2 : i32
        %add3A_173 = arith.addi %mul3A_100, %add3A_172 : i32
        %mul3A_174 = arith.constant 8192 : i32
        %mul3A_175 = arith.muli %add3A_173, %mul3A_174 : i32
        %add3A_176 = arith.addi %mul3A_8, %mul3A_175 : i32
        %dma_start3A_177 = tpu.memref_slice %arg4[%add3A_176] : memref<1600000xi32, #tpu.memory_space<hbm>> -> memref<8192xi32, #tpu.memory_space<hbm>>
        %dma_start3A_178 = tpu.memref_slice %arg4[%add3A_176] : memref<1600000xi32, #tpu.memory_space<hbm>> -> memref<8192xi32, #tpu.memory_space<hbm>>
        tpu.enqueue_dma source(%dma_start3A_178 : memref<8192xi32, #tpu.memory_space<hbm>>) target(%arg14 : memref<8192xi32, #tpu.memory_space<vmem>>) target_semaphore(%arg33 : memref<!tpu.dma_semaphore, #tpu.memory_space<semaphore_mem>>)
      } else {
      }
      %dma_start3A_168 = arith.constant 0 : i32
      %dma_start3A_169 = tpu.memref_slice %arg7[%dma_start3A_168] : memref<200192xf32, #tpu.memory_space<vmem_shared>> -> memref<200192xf32, #tpu.memory_space<vmem_shared>>
      tpu.enqueue_indirect_dma source(%arg19 : memref<8192xf32, #tpu.memory_space<vmem>>) target(%dma_start3A_169 : memref<200192xf32, #tpu.memory_space<vmem_shared>>) offsets(%arg15 : memref<8192xi32, #tpu.memory_space<vmem>>) semaphore(%arg30 : memref<!tpu.dma_semaphore, #tpu.memory_space<semaphore_mem>>) {add = true}
      %dma_start3A_170 = arith.constant 0 : i32
      %dma_start3A_171 = tpu.memref_slice %arg8[%dma_start3A_170] : memref<200192xf32, #tpu.memory_space<vmem_shared>> -> memref<200192xf32, #tpu.memory_space<vmem_shared>>
      tpu.enqueue_indirect_dma source(%arg21 : memref<8192xf32, #tpu.memory_space<vmem>>) target(%dma_start3A_171 : memref<200192xf32, #tpu.memory_space<vmem_shared>>) offsets(%arg15 : memref<8192xi32, #tpu.memory_space<vmem>>) semaphore(%arg30 : memref<!tpu.dma_semaphore, #tpu.memory_space<semaphore_mem>>) {add = true}
    }
    %scan3A_80 = arith.constant 3 : i32
    %dma_wait3A_81 = arith.constant 0 : i32
    %dma_wait3A_82 = tpu.memref_slice %arg7[%dma_wait3A_81] : memref<200192xf32, #tpu.memory_space<vmem_shared>> -> memref<200192xf32, #tpu.memory_space<vmem_shared>>
    tpu.wait_indirect_dma semaphore(%arg30 : memref<!tpu.dma_semaphore, #tpu.memory_space<semaphore_mem>>) src(%arg19 : memref<8192xf32, #tpu.memory_space<vmem>>) dst(%dma_wait3A_82 : memref<200192xf32, #tpu.memory_space<vmem_shared>>)
    %dma_wait3A_83 = arith.constant 0 : i32
    %dma_wait3A_84 = tpu.memref_slice %arg8[%dma_wait3A_83] : memref<200192xf32, #tpu.memory_space<vmem_shared>> -> memref<200192xf32, #tpu.memory_space<vmem_shared>>
    tpu.wait_indirect_dma semaphore(%arg30 : memref<!tpu.dma_semaphore, #tpu.memory_space<semaphore_mem>>) src(%arg21 : memref<8192xf32, #tpu.memory_space<vmem>>) dst(%dma_wait3A_84 : memref<200192xf32, #tpu.memory_space<vmem_shared>>)
    %sub3A = arith.constant 384 : i32
    %sub3A_85 = arith.subi %select_n3A, %sub3A : i32
    %while3A = arith.constant 0 : i32
    %while3A_86 = arith.subi %sub3A_85, %while3A : i32
    %while3A_87 = arith.addi %while3A, %while3A_86 : i32
    %while3A_88 = arith.constant 1 : i32
    %while3A_89 = arith.divsi %while3A_86, %while3A_88 : i32
    %while3A_90 = arith.muli %while3A_89, %while3A_88 : i32
    %while3A_91 = arith.addi %while3A, %while3A_90 : i32
    %while3A_92 = arith.constant 1 : i32
    scf.for %while3A_98 = %while3A to %while3A_91 step %while3A_92  : i32 {
      %add3A_99 = arith.constant 49152 : i32
      %add3A_100 = arith.addi %mul3A_8, %add3A_99 : i32
      %mul3A_101 = arith.constant 128 : i32
      %mul3A_102 = arith.muli %while3A_98, %mul3A_101 : i32
      %add3A_103 = arith.addi %add3A_100, %mul3A_102 : i32
      "tpu.region"() ({
        %run_scoped3A_229 = tpu.sem_alloc : memref<!tpu.dma_semaphore, #tpu.memory_space<semaphore_mem>>
        %dma_start3A_230 = tpu.memref_slice %arg3[%add3A_103] : memref<1600000xi32, #tpu.memory_space<hbm>> -> memref<128xi32, #tpu.memory_space<hbm>>
        %dma_start3A_231 = tpu.memref_slice %arg3[%add3A_103] : memref<1600000xi32, #tpu.memory_space<hbm>> -> memref<128xi32, #tpu.memory_space<hbm>>
        tpu.enqueue_dma source(%dma_start3A_231 : memref<128xi32, #tpu.memory_space<hbm>>) target(%arg22 : memref<128xi32, #tpu.memory_space<vmem>>) target_semaphore(%run_scoped3A_229 : memref<!tpu.dma_semaphore, #tpu.memory_space<semaphore_mem>>)
        %dma_wait3A_232 = tpu.memref_slice %arg3[%add3A_103] : memref<1600000xi32, #tpu.memory_space<hbm>> -> memref<128xi32, #tpu.memory_space<hbm>>
        %dma_wait3A_233 = tpu.memref_slice %arg3[%add3A_103] : memref<1600000xi32, #tpu.memory_space<hbm>> -> memref<128xi32, #tpu.memory_space<hbm>>
        tpu.wait_dma2 semaphore(%run_scoped3A_229 : memref<!tpu.dma_semaphore, #tpu.memory_space<semaphore_mem>>) src(%dma_wait3A_233 : memref<128xi32, #tpu.memory_space<hbm>>) dst(%arg22 : memref<128xi32, #tpu.memory_space<vmem>>)
        tpu.yield
      }) : () -> ()
      "tpu.region"() ({
        %run_scoped3A_229 = tpu.sem_alloc : memref<!tpu.dma_semaphore, #tpu.memory_space<semaphore_mem>>
        %dma_start3A_230 = tpu.memref_slice %arg4[%add3A_103] : memref<1600000xi32, #tpu.memory_space<hbm>> -> memref<128xi32, #tpu.memory_space<hbm>>
        %dma_start3A_231 = tpu.memref_slice %arg4[%add3A_103] : memref<1600000xi32, #tpu.memory_space<hbm>> -> memref<128xi32, #tpu.memory_space<hbm>>
        tpu.enqueue_dma source(%dma_start3A_231 : memref<128xi32, #tpu.memory_space<hbm>>) target(%arg23 : memref<128xi32, #tpu.memory_space<vmem>>) target_semaphore(%run_scoped3A_229 : memref<!tpu.dma_semaphore, #tpu.memory_space<semaphore_mem>>)
        %dma_wait3A_232 = tpu.memref_slice %arg4[%add3A_103] : memref<1600000xi32, #tpu.memory_space<hbm>> -> memref<128xi32, #tpu.memory_space<hbm>>
        %dma_wait3A_233 = tpu.memref_slice %arg4[%add3A_103] : memref<1600000xi32, #tpu.memory_space<hbm>> -> memref<128xi32, #tpu.memory_space<hbm>>
        tpu.wait_dma2 semaphore(%run_scoped3A_229 : memref<!tpu.dma_semaphore, #tpu.memory_space<semaphore_mem>>) src(%dma_wait3A_233 : memref<128xi32, #tpu.memory_space<hbm>>) dst(%arg23 : memref<128xi32, #tpu.memory_space<vmem>>)
        tpu.yield
      }) : () -> ()
      "tpu.region"() ({
        %run_scoped3A_229 = tpu.sem_alloc : memref<!tpu.dma_semaphore, #tpu.memory_space<semaphore_mem>>
        %dma_start3A_230 = arith.constant 0 : i32
        %dma_start3A_231 = tpu.memref_slice %arg6[%dma_start3A_230] : memref<100000xf32, #tpu.memory_space<vmem_shared>> -> memref<100000xf32, #tpu.memory_space<vmem_shared>>
        tpu.enqueue_indirect_dma source(%dma_start3A_231 : memref<100000xf32, #tpu.memory_space<vmem_shared>>) target(%arg24 : memref<128xf32, #tpu.memory_space<vmem>>) offsets(%arg22 : memref<128xi32, #tpu.memory_space<vmem>>) semaphore(%run_scoped3A_229 : memref<!tpu.dma_semaphore, #tpu.memory_space<semaphore_mem>>)
        %dma_wait3A_232 = arith.constant 0 : i32
        %dma_wait3A_233 = tpu.memref_slice %arg6[%dma_wait3A_232] : memref<100000xf32, #tpu.memory_space<vmem_shared>> -> memref<100000xf32, #tpu.memory_space<vmem_shared>>
        tpu.wait_indirect_dma semaphore(%run_scoped3A_229 : memref<!tpu.dma_semaphore, #tpu.memory_space<semaphore_mem>>) src(%dma_wait3A_233 : memref<100000xf32, #tpu.memory_space<vmem_shared>>) dst(%arg24 : memref<128xf32, #tpu.memory_space<vmem>>)
        tpu.yield
      }) : () -> ()
      %get3A = arith.constant 0 : index
      %get3A_104 = tpu.vector_load %arg24[%get3A] {strides = array<i32>} : memref<128xf32, #tpu.memory_space<vmem>>, vector<16xf32>,
      %get3A_105 = vector.shape_cast %get3A_104 : vector<16xf32> to vector<16xf32>
      %mul3A_106 = arith.constant 2.29739666 : f32
      %mul3A_107 = vector.broadcast %mul3A_106 : f32 to vector<16xf32>
      %mul3A_108 = arith.mulf %get3A_105, %mul3A_107 : vector<16xf32>
      %exp3A = math.exp %mul3A_108 : vector<16xf32>
      %mul3A_109 = arith.mulf %get3A_105, %exp3A : vector<16xf32>
      %swap3A = arith.constant 0 : index
      %swap3A_110 = tpu.vector_load %arg25[%swap3A] {strides = array<i32>} : memref<128xf32, #tpu.memory_space<vmem>>, vector<16xf32>,
      %swap3A_111 = vector.shape_cast %swap3A_110 : vector<16xf32> to vector<16xf32>
      %swap3A_112 = vector.shape_cast %mul3A_109 : vector<16xf32> to vector<16xf32>
      tpu.vector_store %arg25[%swap3A], %swap3A_112 {strides = array<i32>} : memref<128xf32, #tpu.memory_space<vmem>>, vector<16xf32>,
      %swap3A_113 = arith.constant 0 : index
      %swap3A_114 = tpu.vector_load %arg26[%swap3A_113] {strides = array<i32>} : memref<128xf32, #tpu.memory_space<vmem>>, vector<16xf32>,
      %swap3A_115 = vector.shape_cast %swap3A_114 : vector<16xf32> to vector<16xf32>
      %swap3A_116 = vector.shape_cast %exp3A : vector<16xf32> to vector<16xf32>
      tpu.vector_store %arg26[%swap3A_113], %swap3A_116 {strides = array<i32>} : memref<128xf32, #tpu.memory_space<vmem>>, vector<16xf32>,
      %get3A_117 = arith.constant 16 : index
      %get3A_118 = tpu.vector_load %arg24[%get3A_117] {strides = array<i32>} : memref<128xf32, #tpu.memory_space<vmem>>, vector<16xf32>,
      %get3A_119 = vector.shape_cast %get3A_118 : vector<16xf32> to vector<16xf32>
      %mul3A_120 = arith.constant 2.29739666 : f32
      %mul3A_121 = vector.broadcast %mul3A_120 : f32 to vector<16xf32>
      %mul3A_122 = arith.mulf %get3A_119, %mul3A_121 : vector<16xf32>
      %exp3A_123 = math.exp %mul3A_122 : vector<16xf32>
      %mul3A_124 = arith.mulf %get3A_119, %exp3A_123 : vector<16xf32>
      %swap3A_125 = arith.constant 16 : index
      %swap3A_126 = tpu.vector_load %arg25[%swap3A_125] {strides = array<i32>} : memref<128xf32, #tpu.memory_space<vmem>>, vector<16xf32>,
      %swap3A_127 = vector.shape_cast %swap3A_126 : vector<16xf32> to vector<16xf32>
      %swap3A_128 = vector.shape_cast %mul3A_124 : vector<16xf32> to vector<16xf32>
      tpu.vector_store %arg25[%swap3A_125], %swap3A_128 {strides = array<i32>} : memref<128xf32, #tpu.memory_space<vmem>>, vector<16xf32>,
      %swap3A_129 = arith.constant 16 : index
      %swap3A_130 = tpu.vector_load %arg26[%swap3A_129] {strides = array<i32>} : memref<128xf32, #tpu.memory_space<vmem>>, vector<16xf32>,
      %swap3A_131 = vector.shape_cast %swap3A_130 : vector<16xf32> to vector<16xf32>
      %swap3A_132 = vector.shape_cast %exp3A_123 : vector<16xf32> to vector<16xf32>
      tpu.vector_store %arg26[%swap3A_129], %swap3A_132 {strides = array<i32>} : memref<128xf32, #tpu.memory_space<vmem>>, vector<16xf32>,
      %get3A_133 = arith.constant 32 : index
      %get3A_134 = tpu.vector_load %arg24[%get3A_133] {strides = array<i32>} : memref<128xf32, #tpu.memory_space<vmem>>, vector<16xf32>,
      %get3A_135 = vector.shape_cast %get3A_134 : vector<16xf32> to vector<16xf32>
      %mul3A_136 = arith.constant 2.29739666 : f32
      %mul3A_137 = vector.broadcast %mul3A_136 : f32 to vector<16xf32>
      %mul3A_138 = arith.mulf %get3A_135, %mul3A_137 : vector<16xf32>
      %exp3A_139 = math.exp %mul3A_138 : vector<16xf32>
      %mul3A_140 = arith.mulf %get3A_135, %exp3A_139 : vector<16xf32>
      %swap3A_141 = arith.constant 32 : index
      %swap3A_142 = tpu.vector_load %arg25[%swap3A_141] {strides = array<i32>} : memref<128xf32, #tpu.memory_space<vmem>>, vector<16xf32>,
      %swap3A_143 = vector.shape_cast %swap3A_142 : vector<16xf32> to vector<16xf32>
      %swap3A_144 = vector.shape_cast %mul3A_140 : vector<16xf32> to vector<16xf32>
      tpu.vector_store %arg25[%swap3A_141], %swap3A_144 {strides = array<i32>} : memref<128xf32, #tpu.memory_space<vmem>>, vector<16xf32>,
      %swap3A_145 = arith.constant 32 : index
      %swap3A_146 = tpu.vector_load %arg26[%swap3A_145] {strides = array<i32>} : memref<128xf32, #tpu.memory_space<vmem>>, vector<16xf32>,
      %swap3A_147 = vector.shape_cast %swap3A_146 : vector<16xf32> to vector<16xf32>
      %swap3A_148 = vector.shape_cast %exp3A_139 : vector<16xf32> to vector<16xf32>
      tpu.vector_store %arg26[%swap3A_145], %swap3A_148 {strides = array<i32>} : memref<128xf32, #tpu.memory_space<vmem>>, vector<16xf32>,
      %get3A_149 = arith.constant 48 : index
      %get3A_150 = tpu.vector_load %arg24[%get3A_149] {strides = array<i32>} : memref<128xf32, #tpu.memory_space<vmem>>, vector<16xf32>,
      %get3A_151 = vector.shape_cast %get3A_150 : vector<16xf32> to vector<16xf32>
      %mul3A_152 = arith.constant 2.29739666 : f32
      %mul3A_153 = vector.broadcast %mul3A_152 : f32 to vector<16xf32>
      %mul3A_154 = arith.mulf %get3A_151, %mul3A_153 : vector<16xf32>
      %exp3A_155 = math.exp %mul3A_154 : vector<16xf32>
      %mul3A_156 = arith.mulf %get3A_151, %exp3A_155 : vector<16xf32>
      %swap3A_157 = arith.constant 48 : index
      %swap3A_158 = tpu.vector_load %arg25[%swap3A_157] {strides = array<i32>} : memref<128xf32, #tpu.memory_space<vmem>>, vector<16xf32>,
      %swap3A_159 = vector.shape_cast %swap3A_158 : vector<16xf32> to vector<16xf32>
      %swap3A_160 = vector.shape_cast %mul3A_156 : vector<16xf32> to vector<16xf32>
      tpu.vector_store %arg25[%swap3A_157], %swap3A_160 {strides = array<i32>} : memref<128xf32, #tpu.memory_space<vmem>>, vector<16xf32>,
      %swap3A_161 = arith.constant 48 : index
      %swap3A_162 = tpu.vector_load %arg26[%swap3A_161] {strides = array<i32>} : memref<128xf32, #tpu.memory_space<vmem>>, vector<16xf32>,
      %swap3A_163 = vector.shape_cast %swap3A_162 : vector<16xf32> to vector<16xf32>
      %swap3A_164 = vector.shape_cast %exp3A_155 : vector<16xf32> to vector<16xf32>
      tpu.vector_store %arg26[%swap3A_161], %swap3A_164 {strides = array<i32>} : memref<128xf32, #tpu.memory_space<vmem>>, vector<16xf32>,
      %get3A_165 = arith.constant 64 : index
      %get3A_166 = tpu.vector_load %arg24[%get3A_165] {strides = array<i32>} : memref<128xf32, #tpu.memory_space<vmem>>, vector<16xf32>,
      %get3A_167 = vector.shape_cast %get3A_166 : vector<16xf32> to vector<16xf32>
      %mul3A_168 = arith.constant 2.29739666 : f32
      %mul3A_169 = vector.broadcast %mul3A_168 : f32 to vector<16xf32>
      %mul3A_170 = arith.mulf %get3A_167, %mul3A_169 : vector<16xf32>
      %exp3A_171 = math.exp %mul3A_170 : vector<16xf32>
      %mul3A_172 = arith.mulf %get3A_167, %exp3A_171 : vector<16xf32>
      %swap3A_173 = arith.constant 64 : index
      %swap3A_174 = tpu.vector_load %arg25[%swap3A_173] {strides = array<i32>} : memref<128xf32, #tpu.memory_space<vmem>>, vector<16xf32>,
      %swap3A_175 = vector.shape_cast %swap3A_174 : vector<16xf32> to vector<16xf32>
      %swap3A_176 = vector.shape_cast %mul3A_172 : vector<16xf32> to vector<16xf32>
      tpu.vector_store %arg25[%swap3A_173], %swap3A_176 {strides = array<i32>} : memref<128xf32, #tpu.memory_space<vmem>>, vector<16xf32>,
      %swap3A_177 = arith.constant 64 : index
      %swap3A_178 = tpu.vector_load %arg26[%swap3A_177] {strides = array<i32>} : memref<128xf32, #tpu.memory_space<vmem>>, vector<16xf32>,
      %swap3A_179 = vector.shape_cast %swap3A_178 : vector<16xf32> to vector<16xf32>
      %swap3A_180 = vector.shape_cast %exp3A_171 : vector<16xf32> to vector<16xf32>
      tpu.vector_store %arg26[%swap3A_177], %swap3A_180 {strides = array<i32>} : memref<128xf32, #tpu.memory_space<vmem>>, vector<16xf32>,
      %get3A_181 = arith.constant 80 : index
      %get3A_182 = tpu.vector_load %arg24[%get3A_181] {strides = array<i32>} : memref<128xf32, #tpu.memory_space<vmem>>, vector<16xf32>,
      %get3A_183 = vector.shape_cast %get3A_182 : vector<16xf32> to vector<16xf32>
      %mul3A_184 = arith.constant 2.29739666 : f32
      %mul3A_185 = vector.broadcast %mul3A_184 : f32 to vector<16xf32>
      %mul3A_186 = arith.mulf %get3A_183, %mul3A_185 : vector<16xf32>
      %exp3A_187 = math.exp %mul3A_186 : vector<16xf32>
      %mul3A_188 = arith.mulf %get3A_183, %exp3A_187 : vector<16xf32>
      %swap3A_189 = arith.constant 80 : index
      %swap3A_190 = tpu.vector_load %arg25[%swap3A_189] {strides = array<i32>} : memref<128xf32, #tpu.memory_space<vmem>>, vector<16xf32>,
      %swap3A_191 = vector.shape_cast %swap3A_190 : vector<16xf32> to vector<16xf32>
      %swap3A_192 = vector.shape_cast %mul3A_188 : vector<16xf32> to vector<16xf32>
      tpu.vector_store %arg25[%swap3A_189], %swap3A_192 {strides = array<i32>} : memref<128xf32, #tpu.memory_space<vmem>>, vector<16xf32>,
      %swap3A_193 = arith.constant 80 : index
      %swap3A_194 = tpu.vector_load %arg26[%swap3A_193] {strides = array<i32>} : memref<128xf32, #tpu.memory_space<vmem>>, vector<16xf32>,
      %swap3A_195 = vector.shape_cast %swap3A_194 : vector<16xf32> to vector<16xf32>
      %swap3A_196 = vector.shape_cast %exp3A_187 : vector<16xf32> to vector<16xf32>
      tpu.vector_store %arg26[%swap3A_193], %swap3A_196 {strides = array<i32>} : memref<128xf32, #tpu.memory_space<vmem>>, vector<16xf32>,
      %get3A_197 = arith.constant 96 : index
      %get3A_198 = tpu.vector_load %arg24[%get3A_197] {strides = array<i32>} : memref<128xf32, #tpu.memory_space<vmem>>, vector<16xf32>,
      %get3A_199 = vector.shape_cast %get3A_198 : vector<16xf32> to vector<16xf32>
      %mul3A_200 = arith.constant 2.29739666 : f32
      %mul3A_201 = vector.broadcast %mul3A_200 : f32 to vector<16xf32>
      %mul3A_202 = arith.mulf %get3A_199, %mul3A_201 : vector<16xf32>
      %exp3A_203 = math.exp %mul3A_202 : vector<16xf32>
      %mul3A_204 = arith.mulf %get3A_199, %exp3A_203 : vector<16xf32>
      %swap3A_205 = arith.constant 96 : index
      %swap3A_206 = tpu.vector_load %arg25[%swap3A_205] {strides = array<i32>} : memref<128xf32, #tpu.memory_space<vmem>>, vector<16xf32>,
      %swap3A_207 = vector.shape_cast %swap3A_206 : vector<16xf32> to vector<16xf32>
      %swap3A_208 = vector.shape_cast %mul3A_204 : vector<16xf32> to vector<16xf32>
      tpu.vector_store %arg25[%swap3A_205], %swap3A_208 {strides = array<i32>} : memref<128xf32, #tpu.memory_space<vmem>>, vector<16xf32>,
      %swap3A_209 = arith.constant 96 : index
      %swap3A_210 = tpu.vector_load %arg26[%swap3A_209] {strides = array<i32>} : memref<128xf32, #tpu.memory_space<vmem>>, vector<16xf32>,
      %swap3A_211 = vector.shape_cast %swap3A_210 : vector<16xf32> to vector<16xf32>
      %swap3A_212 = vector.shape_cast %exp3A_203 : vector<16xf32> to vector<16xf32>
      tpu.vector_store %arg26[%swap3A_209], %swap3A_212 {strides = array<i32>} : memref<128xf32, #tpu.memory_space<vmem>>, vector<16xf32>,
      %get3A_213 = arith.constant 112 : index
      %get3A_214 = tpu.vector_load %arg24[%get3A_213] {strides = array<i32>} : memref<128xf32, #tpu.memory_space<vmem>>, vector<16xf32>,
      %get3A_215 = vector.shape_cast %get3A_214 : vector<16xf32> to vector<16xf32>
      %mul3A_216 = arith.constant 2.29739666 : f32
      %mul3A_217 = vector.broadcast %mul3A_216 : f32 to vector<16xf32>
      %mul3A_218 = arith.mulf %get3A_215, %mul3A_217 : vector<16xf32>
      %exp3A_219 = math.exp %mul3A_218 : vector<16xf32>
      %mul3A_220 = arith.mulf %get3A_215, %exp3A_219 : vector<16xf32>
      %swap3A_221 = arith.constant 112 : index
      %swap3A_222 = tpu.vector_load %arg25[%swap3A_221] {strides = array<i32>} : memref<128xf32, #tpu.memory_space<vmem>>, vector<16xf32>,
      %swap3A_223 = vector.shape_cast %swap3A_222 : vector<16xf32> to vector<16xf32>
      %swap3A_224 = vector.shape_cast %mul3A_220 : vector<16xf32> to vector<16xf32>
      tpu.vector_store %arg25[%swap3A_221], %swap3A_224 {strides = array<i32>} : memref<128xf32, #tpu.memory_space<vmem>>, vector<16xf32>,
      %swap3A_225 = arith.constant 112 : index
      %swap3A_226 = tpu.vector_load %arg26[%swap3A_225] {strides = array<i32>} : memref<128xf32, #tpu.memory_space<vmem>>, vector<16xf32>,
      %swap3A_227 = vector.shape_cast %swap3A_226 : vector<16xf32> to vector<16xf32>
      %swap3A_228 = vector.shape_cast %exp3A_219 : vector<16xf32> to vector<16xf32>
      tpu.vector_store %arg26[%swap3A_225], %swap3A_228 {strides = array<i32>} : memref<128xf32, #tpu.memory_space<vmem>>, vector<16xf32>,
      "tpu.region"() ({
        %run_scoped3A_229 = tpu.sem_alloc : memref<!tpu.dma_semaphore, #tpu.memory_space<semaphore_mem>>
        %dma_start3A_230 = arith.constant 0 : i32
        %dma_start3A_231 = tpu.memref_slice %arg7[%dma_start3A_230] : memref<200192xf32, #tpu.memory_space<vmem_shared>> -> memref<200192xf32, #tpu.memory_space<vmem_shared>>
        tpu.enqueue_indirect_dma source(%arg25 : memref<128xf32, #tpu.memory_space<vmem>>) target(%dma_start3A_231 : memref<200192xf32, #tpu.memory_space<vmem_shared>>) offsets(%arg23 : memref<128xi32, #tpu.memory_space<vmem>>) semaphore(%run_scoped3A_229 : memref<!tpu.dma_semaphore, #tpu.memory_space<semaphore_mem>>) {add = true}
        %dma_wait3A_232 = arith.constant 0 : i32
        %dma_wait3A_233 = tpu.memref_slice %arg7[%dma_wait3A_232] : memref<200192xf32, #tpu.memory_space<vmem_shared>> -> memref<200192xf32, #tpu.memory_space<vmem_shared>>
        tpu.wait_indirect_dma semaphore(%run_scoped3A_229 : memref<!tpu.dma_semaphore, #tpu.memory_space<semaphore_mem>>) src(%arg25 : memref<128xf32, #tpu.memory_space<vmem>>) dst(%dma_wait3A_233 : memref<200192xf32, #tpu.memory_space<vmem_shared>>)
        tpu.yield
      }) : () -> ()
      "tpu.region"() ({
        %run_scoped3A_229 = tpu.sem_alloc : memref<!tpu.dma_semaphore, #tpu.memory_space<semaphore_mem>>
        %dma_start3A_230 = arith.constant 0 : i32
        %dma_start3A_231 = tpu.memref_slice %arg8[%dma_start3A_230] : memref<200192xf32, #tpu.memory_space<vmem_shared>> -> memref<200192xf32, #tpu.memory_space<vmem_shared>>
        tpu.enqueue_indirect_dma source(%arg26 : memref<128xf32, #tpu.memory_space<vmem>>) target(%dma_start3A_231 : memref<200192xf32, #tpu.memory_space<vmem_shared>>) offsets(%arg23 : memref<128xi32, #tpu.memory_space<vmem>>) semaphore(%run_scoped3A_229 : memref<!tpu.dma_semaphore, #tpu.memory_space<semaphore_mem>>) {add = true}
        %dma_wait3A_232 = arith.constant 0 : i32
        %dma_wait3A_233 = tpu.memref_slice %arg8[%dma_wait3A_232] : memref<200192xf32, #tpu.memory_space<vmem_shared>> -> memref<200192xf32, #tpu.memory_space<vmem_shared>>
        tpu.wait_indirect_dma semaphore(%run_scoped3A_229 : memref<!tpu.dma_semaphore, #tpu.memory_space<semaphore_mem>>) src(%arg26 : memref<128xf32, #tpu.memory_space<vmem>>) dst(%dma_wait3A_233 : memref<200192xf32, #tpu.memory_space<vmem_shared>>)
        tpu.yield
      }) : () -> ()
    }
    %while3A_93 = arith.constant 1 : i32
    scf.for %while3A_98 = %while3A_91 to %while3A_87 step %while3A_93  : i32 {
      %add3A_99 = arith.constant 49152 : i32
      %add3A_100 = arith.addi %mul3A_8, %add3A_99 : i32
      %mul3A_101 = arith.constant 128 : i32
      %mul3A_102 = arith.muli %while3A_98, %mul3A_101 : i32
      %add3A_103 = arith.addi %add3A_100, %mul3A_102 : i32
      "tpu.region"() ({
        %run_scoped3A_229 = tpu.sem_alloc : memref<!tpu.dma_semaphore, #tpu.memory_space<semaphore_mem>>
        %dma_start3A_230 = tpu.memref_slice %arg3[%add3A_103] : memref<1600000xi32, #tpu.memory_space<hbm>> -> memref<128xi32, #tpu.memory_space<hbm>>
        %dma_start3A_231 = tpu.memref_slice %arg3[%add3A_103] : memref<1600000xi32, #tpu.memory_space<hbm>> -> memref<128xi32, #tpu.memory_space<hbm>>
        tpu.enqueue_dma source(%dma_start3A_231 : memref<128xi32, #tpu.memory_space<hbm>>) target(%arg22 : memref<128xi32, #tpu.memory_space<vmem>>) target_semaphore(%run_scoped3A_229 : memref<!tpu.dma_semaphore, #tpu.memory_space<semaphore_mem>>)
        %dma_wait3A_232 = tpu.memref_slice %arg3[%add3A_103] : memref<1600000xi32, #tpu.memory_space<hbm>> -> memref<128xi32, #tpu.memory_space<hbm>>
        %dma_wait3A_233 = tpu.memref_slice %arg3[%add3A_103] : memref<1600000xi32, #tpu.memory_space<hbm>> -> memref<128xi32, #tpu.memory_space<hbm>>
        tpu.wait_dma2 semaphore(%run_scoped3A_229 : memref<!tpu.dma_semaphore, #tpu.memory_space<semaphore_mem>>) src(%dma_wait3A_233 : memref<128xi32, #tpu.memory_space<hbm>>) dst(%arg22 : memref<128xi32, #tpu.memory_space<vmem>>)
        tpu.yield
      }) : () -> ()
      "tpu.region"() ({
        %run_scoped3A_229 = tpu.sem_alloc : memref<!tpu.dma_semaphore, #tpu.memory_space<semaphore_mem>>
        %dma_start3A_230 = tpu.memref_slice %arg4[%add3A_103] : memref<1600000xi32, #tpu.memory_space<hbm>> -> memref<128xi32, #tpu.memory_space<hbm>>
        %dma_start3A_231 = tpu.memref_slice %arg4[%add3A_103] : memref<1600000xi32, #tpu.memory_space<hbm>> -> memref<128xi32, #tpu.memory_space<hbm>>
        tpu.enqueue_dma source(%dma_start3A_231 : memref<128xi32, #tpu.memory_space<hbm>>) target(%arg23 : memref<128xi32, #tpu.memory_space<vmem>>) target_semaphore(%run_scoped3A_229 : memref<!tpu.dma_semaphore, #tpu.memory_space<semaphore_mem>>)
        %dma_wait3A_232 = tpu.memref_slice %arg4[%add3A_103] : memref<1600000xi32, #tpu.memory_space<hbm>> -> memref<128xi32, #tpu.memory_space<hbm>>
        %dma_wait3A_233 = tpu.memref_slice %arg4[%add3A_103] : memref<1600000xi32, #tpu.memory_space<hbm>> -> memref<128xi32, #tpu.memory_space<hbm>>
        tpu.wait_dma2 semaphore(%run_scoped3A_229 : memref<!tpu.dma_semaphore, #tpu.memory_space<semaphore_mem>>) src(%dma_wait3A_233 : memref<128xi32, #tpu.memory_space<hbm>>) dst(%arg23 : memref<128xi32, #tpu.memory_space<vmem>>)
        tpu.yield
      }) : () -> ()
      "tpu.region"() ({
        %run_scoped3A_229 = tpu.sem_alloc : memref<!tpu.dma_semaphore, #tpu.memory_space<semaphore_mem>>
        %dma_start3A_230 = arith.constant 0 : i32
        %dma_start3A_231 = tpu.memref_slice %arg6[%dma_start3A_230] : memref<100000xf32, #tpu.memory_space<vmem_shared>> -> memref<100000xf32, #tpu.memory_space<vmem_shared>>
        tpu.enqueue_indirect_dma source(%dma_start3A_231 : memref<100000xf32, #tpu.memory_space<vmem_shared>>) target(%arg24 : memref<128xf32, #tpu.memory_space<vmem>>) offsets(%arg22 : memref<128xi32, #tpu.memory_space<vmem>>) semaphore(%run_scoped3A_229 : memref<!tpu.dma_semaphore, #tpu.memory_space<semaphore_mem>>)
        %dma_wait3A_232 = arith.constant 0 : i32
        %dma_wait3A_233 = tpu.memref_slice %arg6[%dma_wait3A_232] : memref<100000xf32, #tpu.memory_space<vmem_shared>> -> memref<100000xf32, #tpu.memory_space<vmem_shared>>
        tpu.wait_indirect_dma semaphore(%run_scoped3A_229 : memref<!tpu.dma_semaphore, #tpu.memory_space<semaphore_mem>>) src(%dma_wait3A_233 : memref<100000xf32, #tpu.memory_space<vmem_shared>>) dst(%arg24 : memref<128xf32, #tpu.memory_space<vmem>>)
        tpu.yield
      }) : () -> ()
      %get3A = arith.constant 0 : index
      %get3A_104 = tpu.vector_load %arg24[%get3A] {strides = array<i32>} : memref<128xf32, #tpu.memory_space<vmem>>, vector<16xf32>,
      %get3A_105 = vector.shape_cast %get3A_104 : vector<16xf32> to vector<16xf32>
      %mul3A_106 = arith.constant 2.29739666 : f32
      %mul3A_107 = vector.broadcast %mul3A_106 : f32 to vector<16xf32>
      %mul3A_108 = arith.mulf %get3A_105, %mul3A_107 : vector<16xf32>
      %exp3A = math.exp %mul3A_108 : vector<16xf32>
      %mul3A_109 = arith.mulf %get3A_105, %exp3A : vector<16xf32>
      %swap3A = arith.constant 0 : index
      %swap3A_110 = tpu.vector_load %arg25[%swap3A] {strides = array<i32>} : memref<128xf32, #tpu.memory_space<vmem>>, vector<16xf32>,
      %swap3A_111 = vector.shape_cast %swap3A_110 : vector<16xf32> to vector<16xf32>
      %swap3A_112 = vector.shape_cast %mul3A_109 : vector<16xf32> to vector<16xf32>
      tpu.vector_store %arg25[%swap3A], %swap3A_112 {strides = array<i32>} : memref<128xf32, #tpu.memory_space<vmem>>, vector<16xf32>,
      %swap3A_113 = arith.constant 0 : index
      %swap3A_114 = tpu.vector_load %arg26[%swap3A_113] {strides = array<i32>} : memref<128xf32, #tpu.memory_space<vmem>>, vector<16xf32>,
      %swap3A_115 = vector.shape_cast %swap3A_114 : vector<16xf32> to vector<16xf32>
      %swap3A_116 = vector.shape_cast %exp3A : vector<16xf32> to vector<16xf32>
      tpu.vector_store %arg26[%swap3A_113], %swap3A_116 {strides = array<i32>} : memref<128xf32, #tpu.memory_space<vmem>>, vector<16xf32>,
      %get3A_117 = arith.constant 16 : index
      %get3A_118 = tpu.vector_load %arg24[%get3A_117] {strides = array<i32>} : memref<128xf32, #tpu.memory_space<vmem>>, vector<16xf32>,
      %get3A_119 = vector.shape_cast %get3A_118 : vector<16xf32> to vector<16xf32>
      %mul3A_120 = arith.constant 2.29739666 : f32
      %mul3A_121 = vector.broadcast %mul3A_120 : f32 to vector<16xf32>
      %mul3A_122 = arith.mulf %get3A_119, %mul3A_121 : vector<16xf32>
      %exp3A_123 = math.exp %mul3A_122 : vector<16xf32>
      %mul3A_124 = arith.mulf %get3A_119, %exp3A_123 : vector<16xf32>
      %swap3A_125 = arith.constant 16 : index
      %swap3A_126 = tpu.vector_load %arg25[%swap3A_125] {strides = array<i32>} : memref<128xf32, #tpu.memory_space<vmem>>, vector<16xf32>,
      %swap3A_127 = vector.shape_cast %swap3A_126 : vector<16xf32> to vector<16xf32>
      %swap3A_128 = vector.shape_cast %mul3A_124 : vector<16xf32> to vector<16xf32>
      tpu.vector_store %arg25[%swap3A_125], %swap3A_128 {strides = array<i32>} : memref<128xf32, #tpu.memory_space<vmem>>, vector<16xf32>,
      %swap3A_129 = arith.constant 16 : index
      %swap3A_130 = tpu.vector_load %arg26[%swap3A_129] {strides = array<i32>} : memref<128xf32, #tpu.memory_space<vmem>>, vector<16xf32>,
      %swap3A_131 = vector.shape_cast %swap3A_130 : vector<16xf32> to vector<16xf32>
      %swap3A_132 = vector.shape_cast %exp3A_123 : vector<16xf32> to vector<16xf32>
      tpu.vector_store %arg26[%swap3A_129], %swap3A_132 {strides = array<i32>} : memref<128xf32, #tpu.memory_space<vmem>>, vector<16xf32>,
      %get3A_133 = arith.constant 32 : index
      %get3A_134 = tpu.vector_load %arg24[%get3A_133] {strides = array<i32>} : memref<128xf32, #tpu.memory_space<vmem>>, vector<16xf32>,
      %get3A_135 = vector.shape_cast %get3A_134 : vector<16xf32> to vector<16xf32>
      %mul3A_136 = arith.constant 2.29739666 : f32
      %mul3A_137 = vector.broadcast %mul3A_136 : f32 to vector<16xf32>
      %mul3A_138 = arith.mulf %get3A_135, %mul3A_137 : vector<16xf32>
      %exp3A_139 = math.exp %mul3A_138 : vector<16xf32>
      %mul3A_140 = arith.mulf %get3A_135, %exp3A_139 : vector<16xf32>
      %swap3A_141 = arith.constant 32 : index
      %swap3A_142 = tpu.vector_load %arg25[%swap3A_141] {strides = array<i32>} : memref<128xf32, #tpu.memory_space<vmem>>, vector<16xf32>,
      %swap3A_143 = vector.shape_cast %swap3A_142 : vector<16xf32> to vector<16xf32>
      %swap3A_144 = vector.shape_cast %mul3A_140 : vector<16xf32> to vector<16xf32>
      tpu.vector_store %arg25[%swap3A_141], %swap3A_144 {strides = array<i32>} : memref<128xf32, #tpu.memory_space<vmem>>, vector<16xf32>,
      %swap3A_145 = arith.constant 32 : index
      %swap3A_146 = tpu.vector_load %arg26[%swap3A_145] {strides = array<i32>} : memref<128xf32, #tpu.memory_space<vmem>>, vector<16xf32>,
      %swap3A_147 = vector.shape_cast %swap3A_146 : vector<16xf32> to vector<16xf32>
      %swap3A_148 = vector.shape_cast %exp3A_139 : vector<16xf32> to vector<16xf32>
      tpu.vector_store %arg26[%swap3A_145], %swap3A_148 {strides = array<i32>} : memref<128xf32, #tpu.memory_space<vmem>>, vector<16xf32>,
      %get3A_149 = arith.constant 48 : index
      %get3A_150 = tpu.vector_load %arg24[%get3A_149] {strides = array<i32>} : memref<128xf32, #tpu.memory_space<vmem>>, vector<16xf32>,
      %get3A_151 = vector.shape_cast %get3A_150 : vector<16xf32> to vector<16xf32>
      %mul3A_152 = arith.constant 2.29739666 : f32
      %mul3A_153 = vector.broadcast %mul3A_152 : f32 to vector<16xf32>
      %mul3A_154 = arith.mulf %get3A_151, %mul3A_153 : vector<16xf32>
      %exp3A_155 = math.exp %mul3A_154 : vector<16xf32>
      %mul3A_156 = arith.mulf %get3A_151, %exp3A_155 : vector<16xf32>
      %swap3A_157 = arith.constant 48 : index
      %swap3A_158 = tpu.vector_load %arg25[%swap3A_157] {strides = array<i32>} : memref<128xf32, #tpu.memory_space<vmem>>, vector<16xf32>,
      %swap3A_159 = vector.shape_cast %swap3A_158 : vector<16xf32> to vector<16xf32>
      %swap3A_160 = vector.shape_cast %mul3A_156 : vector<16xf32> to vector<16xf32>
      tpu.vector_store %arg25[%swap3A_157], %swap3A_160 {strides = array<i32>} : memref<128xf32, #tpu.memory_space<vmem>>, vector<16xf32>,
      %swap3A_161 = arith.constant 48 : index
      %swap3A_162 = tpu.vector_load %arg26[%swap3A_161] {strides = array<i32>} : memref<128xf32, #tpu.memory_space<vmem>>, vector<16xf32>,
      %swap3A_163 = vector.shape_cast %swap3A_162 : vector<16xf32> to vector<16xf32>
      %swap3A_164 = vector.shape_cast %exp3A_155 : vector<16xf32> to vector<16xf32>
      tpu.vector_store %arg26[%swap3A_161], %swap3A_164 {strides = array<i32>} : memref<128xf32, #tpu.memory_space<vmem>>, vector<16xf32>,
      %get3A_165 = arith.constant 64 : index
      %get3A_166 = tpu.vector_load %arg24[%get3A_165] {strides = array<i32>} : memref<128xf32, #tpu.memory_space<vmem>>, vector<16xf32>,
      %get3A_167 = vector.shape_cast %get3A_166 : vector<16xf32> to vector<16xf32>
      %mul3A_168 = arith.constant 2.29739666 : f32
      %mul3A_169 = vector.broadcast %mul3A_168 : f32 to vector<16xf32>
      %mul3A_170 = arith.mulf %get3A_167, %mul3A_169 : vector<16xf32>
      %exp3A_171 = math.exp %mul3A_170 : vector<16xf32>
      %mul3A_172 = arith.mulf %get3A_167, %exp3A_171 : vector<16xf32>
      %swap3A_173 = arith.constant 64 : index
      %swap3A_174 = tpu.vector_load %arg25[%swap3A_173] {strides = array<i32>} : memref<128xf32, #tpu.memory_space<vmem>>, vector<16xf32>,
      %swap3A_175 = vector.shape_cast %swap3A_174 : vector<16xf32> to vector<16xf32>
      %swap3A_176 = vector.shape_cast %mul3A_172 : vector<16xf32> to vector<16xf32>
      tpu.vector_store %arg25[%swap3A_173], %swap3A_176 {strides = array<i32>} : memref<128xf32, #tpu.memory_space<vmem>>, vector<16xf32>,
      %swap3A_177 = arith.constant 64 : index
      %swap3A_178 = tpu.vector_load %arg26[%swap3A_177] {strides = array<i32>} : memref<128xf32, #tpu.memory_space<vmem>>, vector<16xf32>,
      %swap3A_179 = vector.shape_cast %swap3A_178 : vector<16xf32> to vector<16xf32>
      %swap3A_180 = vector.shape_cast %exp3A_171 : vector<16xf32> to vector<16xf32>
      tpu.vector_store %arg26[%swap3A_177], %swap3A_180 {strides = array<i32>} : memref<128xf32, #tpu.memory_space<vmem>>, vector<16xf32>,
      %get3A_181 = arith.constant 80 : index
      %get3A_182 = tpu.vector_load %arg24[%get3A_181] {strides = array<i32>} : memref<128xf32, #tpu.memory_space<vmem>>, vector<16xf32>,
      %get3A_183 = vector.shape_cast %get3A_182 : vector<16xf32> to vector<16xf32>
      %mul3A_184 = arith.constant 2.29739666 : f32
      %mul3A_185 = vector.broadcast %mul3A_184 : f32 to vector<16xf32>
      %mul3A_186 = arith.mulf %get3A_183, %mul3A_185 : vector<16xf32>
      %exp3A_187 = math.exp %mul3A_186 : vector<16xf32>
      %mul3A_188 = arith.mulf %get3A_183, %exp3A_187 : vector<16xf32>
      %swap3A_189 = arith.constant 80 : index
      %swap3A_190 = tpu.vector_load %arg25[%swap3A_189] {strides = array<i32>} : memref<128xf32, #tpu.memory_space<vmem>>, vector<16xf32>,
      %swap3A_191 = vector.shape_cast %swap3A_190 : vector<16xf32> to vector<16xf32>
      %swap3A_192 = vector.shape_cast %mul3A_188 : vector<16xf32> to vector<16xf32>
      tpu.vector_store %arg25[%swap3A_189], %swap3A_192 {strides = array<i32>} : memref<128xf32, #tpu.memory_space<vmem>>, vector<16xf32>,
      %swap3A_193 = arith.constant 80 : index
      %swap3A_194 = tpu.vector_load %arg26[%swap3A_193] {strides = array<i32>} : memref<128xf32, #tpu.memory_space<vmem>>, vector<16xf32>,
      %swap3A_195 = vector.shape_cast %swap3A_194 : vector<16xf32> to vector<16xf32>
      %swap3A_196 = vector.shape_cast %exp3A_187 : vector<16xf32> to vector<16xf32>
      tpu.vector_store %arg26[%swap3A_193], %swap3A_196 {strides = array<i32>} : memref<128xf32, #tpu.memory_space<vmem>>, vector<16xf32>,
      %get3A_197 = arith.constant 96 : index
      %get3A_198 = tpu.vector_load %arg24[%get3A_197] {strides = array<i32>} : memref<128xf32, #tpu.memory_space<vmem>>, vector<16xf32>,
      %get3A_199 = vector.shape_cast %get3A_198 : vector<16xf32> to vector<16xf32>
      %mul3A_200 = arith.constant 2.29739666 : f32
      %mul3A_201 = vector.broadcast %mul3A_200 : f32 to vector<16xf32>
      %mul3A_202 = arith.mulf %get3A_199, %mul3A_201 : vector<16xf32>
      %exp3A_203 = math.exp %mul3A_202 : vector<16xf32>
      %mul3A_204 = arith.mulf %get3A_199, %exp3A_203 : vector<16xf32>
      %swap3A_205 = arith.constant 96 : index
      %swap3A_206 = tpu.vector_load %arg25[%swap3A_205] {strides = array<i32>} : memref<128xf32, #tpu.memory_space<vmem>>, vector<16xf32>,
      %swap3A_207 = vector.shape_cast %swap3A_206 : vector<16xf32> to vector<16xf32>
      %swap3A_208 = vector.shape_cast %mul3A_204 : vector<16xf32> to vector<16xf32>
      tpu.vector_store %arg25[%swap3A_205], %swap3A_208 {strides = array<i32>} : memref<128xf32, #tpu.memory_space<vmem>>, vector<16xf32>,
      %swap3A_209 = arith.constant 96 : index
      %swap3A_210 = tpu.vector_load %arg26[%swap3A_209] {strides = array<i32>} : memref<128xf32, #tpu.memory_space<vmem>>, vector<16xf32>,
      %swap3A_211 = vector.shape_cast %swap3A_210 : vector<16xf32> to vector<16xf32>
      %swap3A_212 = vector.shape_cast %exp3A_203 : vector<16xf32> to vector<16xf32>
      tpu.vector_store %arg26[%swap3A_209], %swap3A_212 {strides = array<i32>} : memref<128xf32, #tpu.memory_space<vmem>>, vector<16xf32>,
      %get3A_213 = arith.constant 112 : index
      %get3A_214 = tpu.vector_load %arg24[%get3A_213] {strides = array<i32>} : memref<128xf32, #tpu.memory_space<vmem>>, vector<16xf32>,
      %get3A_215 = vector.shape_cast %get3A_214 : vector<16xf32> to vector<16xf32>
      %mul3A_216 = arith.constant 2.29739666 : f32
      %mul3A_217 = vector.broadcast %mul3A_216 : f32 to vector<16xf32>
      %mul3A_218 = arith.mulf %get3A_215, %mul3A_217 : vector<16xf32>
      %exp3A_219 = math.exp %mul3A_218 : vector<16xf32>
      %mul3A_220 = arith.mulf %get3A_215, %exp3A_219 : vector<16xf32>
      %swap3A_221 = arith.constant 112 : index
      %swap3A_222 = tpu.vector_load %arg25[%swap3A_221] {strides = array<i32>} : memref<128xf32, #tpu.memory_space<vmem>>, vector<16xf32>,
      %swap3A_223 = vector.shape_cast %swap3A_222 : vector<16xf32> to vector<16xf32>
      %swap3A_224 = vector.shape_cast %mul3A_220 : vector<16xf32> to vector<16xf32>
      tpu.vector_store %arg25[%swap3A_221], %swap3A_224 {strides = array<i32>} : memref<128xf32, #tpu.memory_space<vmem>>, vector<16xf32>,
      %swap3A_225 = arith.constant 112 : index
      %swap3A_226 = tpu.vector_load %arg26[%swap3A_225] {strides = array<i32>} : memref<128xf32, #tpu.memory_space<vmem>>, vector<16xf32>,
      %swap3A_227 = vector.shape_cast %swap3A_226 : vector<16xf32> to vector<16xf32>
      %swap3A_228 = vector.shape_cast %exp3A_219 : vector<16xf32> to vector<16xf32>
      tpu.vector_store %arg26[%swap3A_225], %swap3A_228 {strides = array<i32>} : memref<128xf32, #tpu.memory_space<vmem>>, vector<16xf32>,
      "tpu.region"() ({
        %run_scoped3A_229 = tpu.sem_alloc : memref<!tpu.dma_semaphore, #tpu.memory_space<semaphore_mem>>
        %dma_start3A_230 = arith.constant 0 : i32
        %dma_start3A_231 = tpu.memref_slice %arg7[%dma_start3A_230] : memref<200192xf32, #tpu.memory_space<vmem_shared>> -> memref<200192xf32, #tpu.memory_space<vmem_shared>>
        tpu.enqueue_indirect_dma source(%arg25 : memref<128xf32, #tpu.memory_space<vmem>>) target(%dma_start3A_231 : memref<200192xf32, #tpu.memory_space<vmem_shared>>) offsets(%arg23 : memref<128xi32, #tpu.memory_space<vmem>>) semaphore(%run_scoped3A_229 : memref<!tpu.dma_semaphore, #tpu.memory_space<semaphore_mem>>) {add = true}
        %dma_wait3A_232 = arith.constant 0 : i32
        %dma_wait3A_233 = tpu.memref_slice %arg7[%dma_wait3A_232] : memref<200192xf32, #tpu.memory_space<vmem_shared>> -> memref<200192xf32, #tpu.memory_space<vmem_shared>>
        tpu.wait_indirect_dma semaphore(%run_scoped3A_229 : memref<!tpu.dma_semaphore, #tpu.memory_space<semaphore_mem>>) src(%arg25 : memref<128xf32, #tpu.memory_space<vmem>>) dst(%dma_wait3A_233 : memref<200192xf32, #tpu.memory_space<vmem_shared>>)
        tpu.yield
      }) : () -> ()
      "tpu.region"() ({
        %run_scoped3A_229 = tpu.sem_alloc : memref<!tpu.dma_semaphore, #tpu.memory_space<semaphore_mem>>
        %dma_start3A_230 = arith.constant 0 : i32
        %dma_start3A_231 = tpu.memref_slice %arg8[%dma_start3A_230] : memref<200192xf32, #tpu.memory_space<vmem_shared>> -> memref<200192xf32, #tpu.memory_space<vmem_shared>>
        tpu.enqueue_indirect_dma source(%arg26 : memref<128xf32, #tpu.memory_space<vmem>>) target(%dma_start3A_231 : memref<200192xf32, #tpu.memory_space<vmem_shared>>) offsets(%arg23 : memref<128xi32, #tpu.memory_space<vmem>>) semaphore(%run_scoped3A_229 : memref<!tpu.dma_semaphore, #tpu.memory_space<semaphore_mem>>) {add = true}
        %dma_wait3A_232 = arith.constant 0 : i32
        %dma_wait3A_233 = tpu.memref_slice %arg8[%dma_wait3A_232] : memref<200192xf32, #tpu.memory_space<vmem_shared>> -> memref<200192xf32, #tpu.memory_space<vmem_shared>>
        tpu.wait_indirect_dma semaphore(%run_scoped3A_229 : memref<!tpu.dma_semaphore, #tpu.memory_space<semaphore_mem>>) src(%arg26 : memref<128xf32, #tpu.memory_space<vmem>>) dst(%dma_wait3A_233 : memref<200192xf32, #tpu.memory_space<vmem_shared>>)
        tpu.yield
      }) : () -> ()
    }
    %barrier3A_94 = arith.constant 0 : index
    tpu.barrier barrier_id(%barrier3A_94)
    %mul3A_95 = arith.constant 12512 : i32
    %mul3A_96 = arith.muli %arg1, %mul3A_95 : i32
    %run_scoped3A = arith.constant 0 : i32
    "tpu.region"() ({
      %run_scoped3A_98 = tpu.sem_alloc : memref<!tpu.dma_semaphore, #tpu.memory_space<semaphore_mem>>
      %dma_start3A_99 = tpu.memref_slice %arg5[%arg0, %run_scoped3A, %mul3A_96] : memref<2x2x200192xf32, #tpu.memory_space<hbm>> -> memref<1x1x12512xf32, #tpu.memory_space<hbm>>
      %dma_start3A_100 = tpu.memref_squeeze %dma_start3A_99 : memref<1x1x12512xf32, #tpu.memory_space<hbm>> -> memref<12512xf32, #tpu.memory_space<hbm>>
      %dma_start3A_101 = tpu.memref_slice %arg7[%mul3A_96] : memref<200192xf32, #tpu.memory_space<vmem_shared>> -> memref<12512xf32, #tpu.memory_space<vmem_shared>>
      tpu.enqueue_dma source(%dma_start3A_101 : memref<12512xf32, #tpu.memory_space<vmem_shared>>) target(%dma_start3A_100 : memref<12512xf32, #tpu.memory_space<hbm>>) target_semaphore(%run_scoped3A_98 : memref<!tpu.dma_semaphore, #tpu.memory_space<semaphore_mem>>)
      %dma_wait3A_102 = tpu.memref_slice %arg5[%arg0, %run_scoped3A, %mul3A_96] : memref<2x2x200192xf32, #tpu.memory_space<hbm>> -> memref<1x1x12512xf32, #tpu.memory_space<hbm>>
      %dma_wait3A_103 = tpu.memref_squeeze %dma_wait3A_102 : memref<1x1x12512xf32, #tpu.memory_space<hbm>> -> memref<12512xf32, #tpu.memory_space<hbm>>
      %dma_wait3A_104 = tpu.memref_slice %arg7[%mul3A_96] : memref<200192xf32, #tpu.memory_space<vmem_shared>> -> memref<12512xf32, #tpu.memory_space<vmem_shared>>
      tpu.wait_dma2 semaphore(%run_scoped3A_98 : memref<!tpu.dma_semaphore, #tpu.memory_space<semaphore_mem>>) src(%dma_wait3A_104 : memref<12512xf32, #tpu.memory_space<vmem_shared>>) dst(%dma_wait3A_103 : memref<12512xf32, #tpu.memory_space<hbm>>)
      tpu.yield
    }) : () -> ()
    %run_scoped3A_97 = arith.constant 1 : i32
    "tpu.region"() ({
      %run_scoped3A_98 = tpu.sem_alloc : memref<!tpu.dma_semaphore, #tpu.memory_space<semaphore_mem>>
      %dma_start3A_99 = tpu.memref_slice %arg5[%arg0, %run_scoped3A_97, %mul3A_96] : memref<2x2x200192xf32, #tpu.memory_space<hbm>> -> memref<1x1x12512xf32, #tpu.memory_space<hbm>>
      %dma_start3A_100 = tpu.memref_squeeze %dma_start3A_99 : memref<1x1x12512xf32, #tpu.memory_space<hbm>> -> memref<12512xf32, #tpu.memory_space<hbm>>
      %dma_start3A_101 = tpu.memref_slice %arg8[%mul3A_96] : memref<200192xf32, #tpu.memory_space<vmem_shared>> -> memref<12512xf32, #tpu.memory_space<vmem_shared>>
      tpu.enqueue_dma source(%dma_start3A_101 : memref<12512xf32, #tpu.memory_space<vmem_shared>>) target(%dma_start3A_100 : memref<12512xf32, #tpu.memory_space<hbm>>) target_semaphore(%run_scoped3A_98 : memref<!tpu.dma_semaphore, #tpu.memory_space<semaphore_mem>>)
      %dma_wait3A_102 = tpu.memref_slice %arg5[%arg0, %run_scoped3A_97, %mul3A_96] : memref<2x2x200192xf32, #tpu.memory_space<hbm>> -> memref<1x1x12512xf32, #tpu.memory_space<hbm>>
      %dma_wait3A_103 = tpu.memref_squeeze %dma_wait3A_102 : memref<1x1x12512xf32, #tpu.memory_space<hbm>> -> memref<12512xf32, #tpu.memory_space<hbm>>
      %dma_wait3A_104 = tpu.memref_slice %arg8[%mul3A_96] : memref<200192xf32, #tpu.memory_space<vmem_shared>> -> memref<12512xf32, #tpu.memory_space<vmem_shared>>
      tpu.wait_dma2 semaphore(%run_scoped3A_98 : memref<!tpu.dma_semaphore, #tpu.memory_space<semaphore_mem>>) src(%dma_wait3A_104 : memref<12512xf32, #tpu.memory_space<vmem_shared>>) dst(%dma_wait3A_103 : memref<12512xf32, #tpu.memory_space<hbm>>)
      tpu.yield
    }) : () -> ()
    return
  }
}

module attributes {stable_mosaic.version = 14 : i64} {
  func.func @_fin_body(%arg0: memref<2x2x1564x128xf32, #tpu.memory_space<vmem>>, %arg1: memref<1x1xf32, #tpu.memory_space<vmem>>) attributes {dimension_semantics = [], scalar_prefetch = 0 : i64, scratch_operands = 0 : i64, tpu.core_type = #tpu.core_type<tc>} {
    %get3A = arith.constant 0 : index
    %get3A_0 = arith.constant 0 : index
    %get3A_1 = arith.constant 0 : index
    %get3A_2 = arith.constant 0 : index
    %get3A_3 = vector.load %arg0[%get3A, %get3A_0, %get3A_1, %get3A_2] : memref<2x2x1564x128xf32, #tpu.memory_space<vmem>>, vector<1x1x1564x128xf32>
    %get3A_4 = vector.shape_cast %get3A_3 : vector<1x1x1564x128xf32> to vector<1564x128xf32>
    %get3A_5 = arith.constant 1 : index
    %get3A_6 = arith.constant 0 : index
    %get3A_7 = arith.constant 0 : index
    %get3A_8 = arith.constant 0 : index
    %get3A_9 = vector.load %arg0[%get3A_5, %get3A_6, %get3A_7, %get3A_8] : memref<2x2x1564x128xf32, #tpu.memory_space<vmem>>, vector<1x1x1564x128xf32>
    %get3A_10 = vector.shape_cast %get3A_9 : vector<1x1x1564x128xf32> to vector<1564x128xf32>
    %add3A = arith.addf %get3A_4, %get3A_10 : vector<1564x128xf32>
    %get3A_11 = arith.constant 0 : index
    %get3A_12 = arith.constant 1 : index
    %get3A_13 = arith.constant 0 : index
    %get3A_14 = arith.constant 0 : index
    %get3A_15 = vector.load %arg0[%get3A_11, %get3A_12, %get3A_13, %get3A_14] : memref<2x2x1564x128xf32, #tpu.memory_space<vmem>>, vector<1x1x1564x128xf32>
    %get3A_16 = vector.shape_cast %get3A_15 : vector<1x1x1564x128xf32> to vector<1564x128xf32>
    %get3A_17 = arith.constant 1 : index
    %get3A_18 = arith.constant 1 : index
    %get3A_19 = arith.constant 0 : index
    %get3A_20 = arith.constant 0 : index
    %get3A_21 = vector.load %arg0[%get3A_17, %get3A_18, %get3A_19, %get3A_20] : memref<2x2x1564x128xf32, #tpu.memory_space<vmem>>, vector<1x1x1564x128xf32>
    %get3A_22 = vector.shape_cast %get3A_21 : vector<1x1x1564x128xf32> to vector<1564x128xf32>
    %add3A_23 = arith.addf %get3A_16, %get3A_22 : vector<1564x128xf32>
    %iota3A = tpu.iota {dimensions = array<i32: 0>} : vector<1564x128xi32>
    %iota3A_24 = tpu.iota {dimensions = array<i32: 1>} : vector<1564x128xi32>
    %mul3A = arith.constant 128 : i32
    %mul3A_25 = vector.broadcast %mul3A : i32 to vector<1564x128xi32>
    %mul3A_26 = arith.muli %iota3A, %mul3A_25 : vector<1564x128xi32>
    %add3A_27 = arith.addi %mul3A_26, %iota3A_24 : vector<1564x128xi32>
    %lt3A = arith.constant 200000 : i32
    %lt3A_28 = vector.broadcast %lt3A : i32 to vector<1564x128xi32>
    %lt3A_29 = arith.cmpi slt, %add3A_27, %lt3A_28 : vector<1564x128xi32>
    %gt3A = arith.constant 0.000000e+00 : f32
    %gt3A_30 = vector.broadcast %gt3A : f32 to vector<1564x128xf32>
    %gt3A_31 = arith.cmpf ogt, %add3A_23, %gt3A_30 : vector<1564x128xf32>
    %and3A = arith.andi %lt3A_29, %gt3A_31 : vector<1564x128xi1>
    %max3A = arith.constant 1.000000e-30 : f32
    %max3A_32 = vector.broadcast %max3A : f32 to vector<1564x128xf32>
    %max3A_33 = arith.maximumf %add3A_23, %max3A_32 : vector<1564x128xf32>
    %div3A = arith.divf %add3A, %max3A_33 : vector<1564x128xf32>
    %jit3A = arith.constant 0.000000e+00 : f32
    %broadcast_in_dim3A = vector.broadcast %jit3A : f32 to vector<1564x128xf32>
    %select_n3A = arith.select %and3A, %div3A, %broadcast_in_dim3A : vector<1564x128xi1>, vector<1564x128xf32>
    %neg3A = arith.constant 0.000000e+00 : f32
    %neg3A_34 = vector.broadcast %neg3A : f32 to vector<1564x128xf32>
    %neg3A_35 = arith.subf %neg3A_34, %select_n3A : vector<1564x128xf32>
    %mul3A_36 = arith.constant 2.29739666 : f32
    %mul3A_37 = vector.broadcast %mul3A_36 : f32 to vector<1564x128xf32>
    %mul3A_38 = arith.mulf %neg3A_35, %mul3A_37 : vector<1564x128xf32>
    %exp3A = math.exp %mul3A_38 : vector<1564x128xf32>
    %jit3A_39 = arith.constant 0.000000e+00 : f32
    %broadcast_in_dim3A_40 = vector.broadcast %jit3A_39 : f32 to vector<1564x128xf32>
    %select_n3A_41 = arith.select %lt3A_29, %exp3A, %broadcast_in_dim3A_40 : vector<1564x128xi1>, vector<1564x128xf32>
    %mul3A_42 = arith.mulf %select_n3A, %select_n3A_41 : vector<1564x128xf32>
    %reduce_sum3A = vector.shape_cast %mul3A_42 : vector<1564x128xf32> to vector<1x1564x128xf32>
    %reduce_sum3A_43 = arith.constant dense<0.000000e+00> : vector<1xf32>
    %reduce_sum3A_44 = vector.multi_reduction <add>, %reduce_sum3A, %reduce_sum3A_43 [1, 2] : vector<1x1564x128xf32> to vector<1xf32>
    %reduce_sum3A_45 = vector.shape_cast %reduce_sum3A_44 : vector<1xf32> to vector<1x1x1xf32>
    %reduce_sum3A_46 = vector.extract %reduce_sum3A_45[0, 0, 0] : f32 from vector<1x1x1xf32>
    %reduce_sum3A_47 = vector.shape_cast %select_n3A_41 : vector<1564x128xf32> to vector<1x1564x128xf32>
    %reduce_sum3A_48 = arith.constant dense<0.000000e+00> : vector<1xf32>
    %reduce_sum3A_49 = vector.multi_reduction <add>, %reduce_sum3A_47, %reduce_sum3A_48 [1, 2] : vector<1x1564x128xf32> to vector<1xf32>
    %reduce_sum3A_50 = vector.shape_cast %reduce_sum3A_49 : vector<1xf32> to vector<1x1x1xf32>
    %reduce_sum3A_51 = vector.extract %reduce_sum3A_50[0, 0, 0] : f32 from vector<1x1x1xf32>
    %div3A_52 = arith.divf %reduce_sum3A_46, %reduce_sum3A_51 : f32
    %reshape3A = vector.broadcast %div3A_52 : f32 to vector<1x1xf32>
    %swap3A = arith.constant 0 : index
    %swap3A_53 = arith.constant 0 : index
    %swap3A_54 = vector.load %arg1[%swap3A, %swap3A_53] : memref<1x1xf32, #tpu.memory_space<vmem>>, vector<1x1xf32>
    tpu.vector_store %arg1[%swap3A, %swap3A_53], %reshape3A {strides = array<i32>} : memref<1x1xf32, #tpu.memory_space<vmem>>, vector<1x1xf32>,
    return
  }
}

</mosaic_0001>

<sc_bundles>
// kernel: kernel.4.cloned.1.call-start
scs
__scs_entry_jumppad:
0x0: {  	(pc) =	sbr.rel $0x88, $3  }
0x1: {  	(tag) =	ssettag $0x0;
	lr =	simm.s32 $0x1  }
0x2: {  	[smem:$0x3F9E] =	sst lr;
	_ =	strace $0xD0000000  }
0x3: {  	_ = 	snop  }
0x4: {  	_ = 	snop  }
0x5: {  	_ = 	snop  }
0x6: {  	_ = 	snop  }
0x7: {  	_ = 	snop  }
__scs_overlays_trampoline_lowered:
0x8: {  	[smem:$0x3FAD] =	sst s0  }
0x9: {  	[smem:$0x3FAE] =	sst s1  }
0xa: {  	[smem:$0x3FAF] =	sst s2  }
0xb: {  	[smem:$0x3FB0] =	sst s3  }
0xc: {  	[smem:$0x3FB1] =	sst s4  }
0xd: {  	[smem:$0x3FB2] =	sst s5  }
0xe: {  	[smem:$0x3FB3] =	sst s6  }
0xf: {  	[smem:$0x3FB4] =	sst s7  }
0x10: {  	[smem:$0x3FB5] =	sst s8  }
0x11: {  	[smem:$0x3FB6] =	sst s9;
	s0 =	simm.s32 @!p0 $0x0  }
0x12: {  	s1 =	sld [smem:$0x3F9C];
	s0 =	simm.s32 @p0 $0x1  }
0x13: {  	[smem:$0x3FB7] =	sst s0;
	s0 =	simm.s32 @!p1 $0x0  }
0x14: {  	s2 =	sld [smem:$0x3F9B];
	s0 =	simm.s32 @p1 $0x1  }
0x15: {  	[smem:$0x3FB8] =	sst s0;
	s0 =	simm.s32 @!p2 $0x0  }
0x16: {  	s3 =	sld [smem:$0x3FDB];
	s0 =	simm.s32 @p2 $0x1  }
0x17: {  	s4 =	simm.s32 $0x1BF5;
	[smem:$0x3FBA] =	sst s0  }
0x18: {  	s0 =	sld [smem:$0x3F9D];
	_ =	swait.ge [sflag:s4], $0x0  }
0x19: {  	s7 =	sld [smem:$0x3F9E]  }
0x1a: {  	s8 =	sadd.s32 $0xFFFFE003, lr  }
0x1b: {  	s9 =	sadd.s32 $0xFFFFFEF7, lr;
	s5 =	simm.s32 $0xFFFFFFFF;
	p2 =	slt.u32 s8, $0xFFFFF086  }
0x1c: {  	p1 =	slt.u32 s9, $0xF7A;
	s5 =	simm.s32 @!p2 $0x0  }
0x1d: {  	s5 =	simm.s32 @p1 $0x1;
	p0 =	seq.s32 s7, s2  }
0x1e: {  	s7 =	smul.u32 @!p0 $0xF7A, s2;
	p2 =	seq.s32 @!p0 s5, $0x0  }
0x1f: {  	s9 =	smul.u32 $0xF7A, s1;
	s8 =	simm.s32 @!p0 $0x1BF5;
	p2 =	por !p2, p0  }
0x20: {  	[sflag:s8] =	ssyncset.s32 @!p0 $0xFFFFF086;
	s6 =	sadd.s32 @!p0 s3, s7;
	s7 =	simm.s32 @!p0 $0x108  }
0x21: {  	s3 =	sadd.s32 s3, s9;
	s6 =	sadd.s32 @!p0 $0x88, s6;
	s7 =	simm.s32 @p2 $0x1082  }
0x22: {  	[simem:s7], [sflag:s8] =	dma.local @!p0 [hbm:s6], $0xF7A  }
0x23: {  	s9 =	sor.u32 $0xD0000000, s2;
	s6 =	simm.s32 $0x108;
	_ =	swait.ge @!p0 [sflag:s8], $0x0  }
0x24: {  	s3 =	sadd.s32 $0x88, s3;
	s6 =	simm.s32 @!p1 $0x1082;
	[sflag:s4] =	ssyncset.s32 $0xFFFFF086  }
0x25: {  	[simem:s6], [sflag:s4] =	dma.local [hbm:s3], $0xF7A  }
0x26: {  	[smem:$0x3F9E] =	sst s1;
	(tag) =	ssettag s2;
	_ =	strace s9  }
0x27: {  	s1 =	sld [smem:$0x3FAE]  }
0x28: {  	s2 =	sld [smem:$0x3FAF]  }
0x29: {  	s4 =	sld [smem:$0x3FB1]  }
0x2a: {  	p0 =	seq.s32 s5, $0x0;
	s5 =	sld [smem:$0x3FB2]  }
0x2b: {  	s6 =	sld [smem:$0x3FB3]  }
0x2c: {  	s7 =	sld [smem:$0x3FB4]  }
0x2d: {  	s3 =	simm.s32 $0x108;
	s8 =	sld [smem:$0x3FB5]  }
0x2e: {  	s3 =	simm.s32 @!p0 $0x1082;
	s9 =	sld [smem:$0x3FB6]  }
0x2f: {  	lr =	sadd.s32 s0, s3;
	s0 =	sld [smem:$0x3FAD]  }
0x30: {  	s3 =	sld [smem:$0x3FB0]  }
0x31: {  	[smem:$0x3FB9] =	sst s10  }
0x32: {  	s10 =	sld [smem:$0x3FB7];
	_ =	sdelay $0x3  }
0x33: {  	p0 =	seq.s32 s10, $0x1;
	s10 =	sld [smem:$0x3FB9];
	_ =	sdelay $0x3  }
0x34: {  	[smem:$0x3FB9] =	sst s10  }
0x35: {  	s10 =	sld [smem:$0x3FB8];
	_ =	sdelay $0x3  }
0x36: {  	p1 =	seq.s32 s10, $0x1;
	s10 =	sld [smem:$0x3FB9];
	_ =	sdelay $0x3  }
0x37: {  	[smem:$0x3FB9] =	sst s10  }
0x38: {  	s10 =	sld [smem:$0x3FBA]  }
0x39: {  	_ = 	snop;
	(pc) =	sbr.ind lr, $3  }
0x3a: {  	_ = 	snop  }
0x3b: {  	_ = 	snop  }
0x3c: {  	p2 =	seq.s32 s10, $0x1;
	s10 =	sld [smem:$0x3FB9]  }
0x3d: {  	_ =	shalt  }
0x3e: {  	_ =	shalt  }
0x3f: {  	_ =	shalt  }
0x40: {  	_ =	shalt  }
0x41: {  	_ =	shalt  }
0x42: {  	_ =	shalt  }
0x43: {  	_ =	shalt  }
0x44: {  	_ =	shalt  }
0x45: {  	_ =	shalt  }
0x46: {  	_ =	shalt  }
0x47: {  	_ =	shalt  }
0x48: {  	_ =	shalt  }
0x49: {  	_ =	shalt  }
0x4a: {  	_ =	shalt  }
0x4b: {  	_ =	shalt  }
0x4c: {  	_ =	shalt  }
0x4d: {  	_ =	shalt  }
0x4e: {  	_ =	shalt  }
0x4f: {  	_ =	shalt  }
0x50: {  	_ =	shalt  }
0x51: {  	_ =	shalt  }
0x52: {  	_ =	shalt  }
0x53: {  	_ =	shalt  }
0x54: {  	_ =	shalt  }
0x55: {  	_ =	shalt  }
0x56: {  	_ =	shalt  }
0x57: {  	_ =	shalt  }
0x58: {  	_ =	shalt  }
0x59: {  	_ =	shalt  }
0x5a: {  	_ =	shalt  }
0x5b: {  	_ =	shalt  }
0x5c: {  	_ =	shalt  }
0x5d: {  	_ =	shalt  }
0x5e: {  	_ =	shalt  }
0x5f: {  	_ =	shalt  }
0x60: {  	_ =	shalt  }
0x61: {  	_ =	shalt  }
0x62: {  	_ =	shalt  }
0x63: {  	_ =	shalt  }
0x64: {  	_ =	shalt  }
0x65: {  	_ =	shalt  }
0x66: {  	_ =	shalt  }
0x67: {  	_ =	shalt  }
0x68: {  	_ =	shalt  }
0x69: {  	_ =	shalt  }
0x6a: {  	_ =	shalt  }
0x6b: {  	_ =	shalt  }
0x6c: {  	_ =	shalt  }
0x6d: {  	_ =	shalt  }
0x6e: {  	_ =	shalt  }
0x6f: {  	_ =	shalt  }
0x70: {  	_ =	shalt  }
0x71: {  	_ =	shalt  }
0x72: {  	_ =	shalt  }
0x73: {  	_ =	shalt  }
0x74: {  	_ =	shalt  }
0x75: {  	_ =	shalt  }
0x76: {  	_ =	shalt  }
0x77: {  	_ =	shalt  }
0x78: {  	_ =	shalt  }
0x79: {  	_ =	shalt  }
0x7a: {  	_ =	shalt  }
0x7b: {  	_ =	shalt  }
0x7c: {  	_ =	shalt  }
0x7d: {  	_ =	shalt  }
0x7e: {  	_ =	shalt  }
0x7f: {  	_ =	shalt  }
0x80: {  	_ =	shalt  }
0x81: {  	_ =	shalt  }
0x82: {  	_ =	shalt  }
0x83: {  	_ =	shalt  }
0x84: {  	_ =	shalt  }
0x85: {  	_ =	shalt  }
0x86: {  	_ =	shalt  }
0x87: {  	_ =	shalt  }
.Lfunc_end0:
.L_simem_size_0:
called_computation_lowered:
.L_overlay_start_0:
0x88: {  	s2 =	sld [smem:$0x3FD9]  }
0x89: {  	s3 =	sld [smem:$0x3FFE];
	_ =	sdelay $0x1  }
0x8a: {  	s1 =	srdreg.scid  }
0x8b: {  	s0 =	sand.u32 $0x1, s1  }
0x8c: {  	s17 =	sshll.u32 s0, $0xA;
	s2 =	sadd.s32 s3, s2  }
0x8d: {  	s2 =	sadd.s32 s2, s17  }
0x8e: {  	[smem:$0x3FC5] =	sst s2  }
0x8f: {  	_ = 	snop  }
0x90: {  	s2 =	sld [smem:$0x3FC9]  }
0x91: {  	s18 =	sld [smem:$0x3FC8]  }
0x92: {  	s4 =	sld [smem:$0x3FC7];
	(tm) =	ssettm $0x1  }
0x93: {  	s5 =	sld [smem:$0x3FFB];
	_ =	sdelay $0x3  }
0x94: {  	_ =	strace s5  }
0x95: {  	s5 =	sld [smem:$0x3FFC];
	_ =	sdelay $0x3  }
0x96: {  	_ =	strace s5  }
0x97: {  	s5 =	sld [smem:$0x3FFD];
	_ =	sdelay $0x3  }
0x98: {  	_ =	strace s5  }
0x99: {  	_ =	strace $0x8FFFFFFF  }
0x9a: {  	s19 =	sld [smem:$0x3FDB];
	_ =	sdelay $0x1  }
0x9b: {  	s6 =	simm.s32 $_scs_section_size  }
0x9c: {  	s7 =	simm.s32 $_size__tile_overlayer_lowered;
	s8 =	simm.s32 $_tile_overlayer_lowered  }
0x9d: {  	s22 =	simm.s32 $0x1BFF;
	s21 =	sshll.u32 s8, $0x1;
	s5 =	sadd.s32 s6, s19  }
0x9e: {  	s9 =	simm.s32 $0x0;
	s20 =	sshll.u32 s7, $0x1;
	s7 =	sadd.s32 s21, s5  }
0x9f: {  	[timem:s9], [sflag:s22] =	dma.local [hbm:s7], s20  }
0xa0: {  	_ =	swait.ge [sflag:s22], s20  }
0xa1: {  	s6 =	ssub.s32 $0x0, s20;
	[sflag:s22] =	ssyncset.done $0x0  }
0xa2: {  	[sflag:s22] =	ssyncadd.s32 s6;
	_ =	sdelay $0x1  }
0xa3: {  	s23 =	simm.s32 $0x1B8B  }
0xa4: {  	_ =	swait.ge [sflag:s23], $0x1  }
0xa5: {  	[sflag:s23] =	ssyncset.done $0x0  }
0xa6: {  	s25 =	simm.s32 $0x1B8E;
	s24 =	sld [smem:$0x3FFE];
	[sflag:s23] =	ssyncadd.s32 $0xFFFFFFFF  }
0xa7: {  	s26 =	simm.s32 $execute0_lowered;
	[smem:$0x3FD2] =	sst s25  }
0xa8: {  	s7 =	sshll.u32 s26, $0x1;
	_ =	strace $0x80000046;
	[dreg:$0x1] =	wrdreg $0xFFFFFFFF  }
0xa9: {  	s28 =	simm.s32 $_size_execute0_lowered;
	s5 =	sadd.s32 s5, s7;
	[dreg:$0x0] =	wrdreg $0x0  }
0xaa: {  	s7 =	sshll.u32 s28, $0x1;
	[dreg:$0x2] =	wrdreg s5  }
0xab: {  	[dreg:$0x3] =	wrdreg s7  }
0xac: {  	[dreg:$0x4] =	wrdreg $0xC0  }
0xad: {  	_ =	task [dreg:s9], $0x5FFFF  }
0xae: {  	[dreg:$0x1] =	wrdreg $0xFFFFFFFF  }
0xaf: {  	[dreg:$0x0] =	wrdreg $0x60  }
0xb0: {  	[dreg:$0x2] =	wrdreg s2  }
0xb1: {  	[dreg:$0x3] =	wrdreg s18  }
0xb2: {  	[dreg:$0x4] =	wrdreg s4  }
0xb3: {  	[dreg:$0x5] =	wrdreg s24  }
0xb4: {  	[dreg:$0x6] =	wrdreg $0x18700  }
0xb5: {  	[dreg:$0x7] =	wrdreg $0x49500  }
0xb6: {  	[dreg:$0x8] =	wrdreg $0x0  }
0xb7: {  	[dreg:$0x9] =	wrdreg $0x9  }
0xb8: {  	_ =	task.clear_ibuf [dreg:s9], $0xAFFFF;
	_ =	strace $0x90000046  }
0xb9: {  	s29 =	simm.s32 $0x9;
	_ =	strace $0x80000048  }
0xba: {  	_ =	swait.ge [sflag:s29], $0x1  }
0xbb: {  	[sflag:s29] =	ssyncadd.s32 $0xFFFFFFFF  }
0xbc: {  	_ =	strace $0x90000048  }
0xbd: {  	_ =	sfence  }
0xbe: {  	s30 =	sld [smem:$0x0];
	_ =	sdelay $0x2  }
0xbf: {  	s31 =	sshll.u32 s1, $0xD;
	s1 =	sshrl.u32 s1, $0x2  }
0xc0: {  	s3 =	sand.u32 $0x4000, s31;
	s1 =	sadd.s32 s1, s30  }
0xc1: {  	s0 =	sor.u32 s3, s0;
	s1 =	sshll.u32 s1, $0x11  }
0xc2: {  	s0 =	sor.u32 s1, s0  }
0xc3: {  	s0 =	sadd.s32 $0x8F2B, s0  }
0xc4: {  	[sflag:s0] =	ssyncadd.remote.s32 $0x1  }
0xc5: {  	_ =	sfence.sel $0xFFFF  }
0xc6: {  	[dreg:$0x0] =	wrdreg $0xFFFFFFFF;
	(pc) =	sbr.abs _section_cstart, $3  }
0xc7: {  	[dreg:$0x1] =	wrdreg $0xFFFFFFFF  }
0xc8: {  	_ =	task.clear_ibuf [dreg:s9], $0x2FFFF;
	_ =	strace $0x9FFFFFFF  }
0xc9: {  	(tm) =	ssettm $0x7FFFFFFF  }
tec
execute0_lowered:
.L_overlay_start_1:
0x0: {  	(tag) =	ssettag $0x1  }
0x1: {  	s1 =	rddreg [dreg:$0x0]  }
0x2: {  	s17 =	rddreg [dreg:$0x1]  }
0x3: {  	s16 =	rddreg [dreg:$0x2]  }
0x4: {  	s2 =	rddreg [dreg:$0x3]  }
0x5: {  	s4 =	rddreg [dreg:$0x4]  }
0x6: {  	s5 =	rddreg [dreg:$0x5]  }
0x7: {  	s3 =	srdreg.scid;
	s0 =	stileid.u32  }
0x8: {  	s6 =	rddreg [dreg:$0x6];
	s7 =	simm.s32 $0x0;
	s9 =	smul.u32 $0x30E0, s0  }
0x9: {  	s28 =	simm.s32 $0x7;
	s31 =	simm.s32 $0xEBA0;
	s15 =	smul.u32 $0xC30, s0  }
0xa: {  	s29 =	simm.s32 $0x7A30;
	s3 =	sand.u32 $0x1, s3;
	s20 =	smul.u32 $0x186, s0  }
0xb: {  	[smem:$0x7FF] =	sst s7;
	s8 =	sshll.u32 s3, $0x4;
	s10 =	smul.u32 $0x61C00, s3  }
0xc: {  	_ =	strace $0x80000047;
	s13 =	ssub.s32 $0x2, s3;
	s3 =	smul.u32 $0x1860, s3  }
0xd: {  	s11 =	sor.u32 s0, s8;
	s21 =	sshrl.u32 s13, $0x1;
	s30 =	sshrl.u32 s15, $0x3  }
0xe: {  	s18 =	sadd.s32 $0x1870, s9;
	s0 =	simm.s32 $0x7;
	s8 =	smul.u32 $0x186, s11  }
0xf: {  	s10 =	sadd.s32 s9, s10;
	s12 =	smin.u32 s11, $0x14;
	s13 =	ssub.s32 s13, s21  }
0x10: {  	p0 =	slt.u32 s11, $0x14;
	s1 =	sadd.s32 s1, s30;
	s19 =	sadd.s32 s18, s4  }
0x11: {  	s21 =	sadd.s32 s9, s5;
	s10 =	sshrl.u32 s10, $0x3;
	[dreg:$0xc] =	wrdreg s1  }
0x12: {  	[dreg:$0xe] =	wrdreg s19;
	s1 =	sadd.s32 s18, s5;
	s3 =	sor.u32 s3, s12  }
0x13: {  	s0 =	simm.s32 @!p0 $0x6;
	[dreg:$0xf] =	wrdreg s21;
	s14 =	sadd.s32 s12, s8  }
0x14: {  	s2 =	sadd.s32 s10, s2;
	[dreg:$0x10] =	wrdreg s1;
	s1 =	sadd.s32 s20, s3  }
0x15: {  	[dreg:$0x12] =	wrdreg s0;
	s0 =	smov.u32 s16;
	s8 =	smov.u32 s17  }
0x16: {  	s12 =	simm.s32 $0x2000;
	s3 =	simm.s32 $0xB;
	s20 =	simm.s32 $0x1ECA0  }
0x17: {  	s10 =	sshll.u32 s14, $0x7;
	s23 =	sshll.u32 s14, $0x4;
	s1 =	sshll.u32 s1, $0x4  }
0x18: {  	s14 =	simm.s32 $0x1;
	s22 =	sadd.s32 $0x2000, s10;
	s25 =	sadd.s32 s17, s23  }
0x19: {  	s11 =	sadd.s32 s16, s23;
	s18 =	sadd.s32 $0x4000, s10;
	[dreg:$0x8] =	wrdreg s22  }
0x1a: {  	s19 =	sadd.s32 $0x6000, s10;
	s23 =	sadd.s32 $0x400, s2;
	[dreg:$0x9] =	wrdreg s25  }
0x1b: {  	s10 =	simm.s32 $0x1EDA0;
	s24 =	sshrl.u32 s22, $0x3;
	[dreg:$0xb] =	wrdreg s11  }
0x1c: {  	s11 =	sadd.s32 s9, s4;
	s22 =	sadd.s32 s15, s6;
	[dreg:$0x13] =	wrdreg s23  }
0x1d: {  	s25 =	sadd.s32 s1, s16;
	s1 =	sadd.s32 s1, s17;
	s16 =	simm.s32 $0x6  }
0x1e: {  	s23 =	simm.s32 $0x2;
	s15 =	simm.s32 $0x1EBA0;
	[dreg:$0x11] =	wrdreg s22  }
0x1f: {  	s9 =	simm.s32 $0x0;
	s26 =	sadd.s32 s17, s24;
	[dreg:$0xd] =	wrdreg s11  }
0x20: {  	s24 =	sadd.s32 $0x65C0, s2;
	s2 =	sadd.s32 $0x1800, s25;
	[dreg:$0xa] =	wrdreg s26  }
0x21: {  	s1 =	sadd.s32 $0x1800, s1;
	s30 =	sadd.s32 $0xC350, s22;
	[dreg:$0x14] =	wrdreg s24  }
0x22: {  	s22 =	simm.s32 $0xABA0;
	s17 =	simm.s32 $0x3;
	[dreg:$0x16] =	wrdreg s2  }
0x23: {  	s25 =	simm.s32 $0x80;
	s26 =	smax.u32 s13, $0x1;
	[dreg:$0x17] =	wrdreg s1  }
0x24: {  	[dreg:$0x18] =	wrdreg s30;
	s2 =	simm.s32 $0x10BA0;
	s24 =	simm.s32 $0x1EC20  }
0x25: {  	v0 =	vimm.f32 $0.0e+00;
	s13 =	simm.s32 $0x1ED20;
	[dreg:$0x15] =	wrdreg s26;
	s26 =	simm.s32 $0x8  }
.LBB2_1:
0x26: {  	[dreg:$0x19] =	wrdreg s9  }
0x27: {  	s1 =	rddreg [dreg:$0x9]  }
0x28: {  	[tilespmem:s22], [sflag:$0x5] =	stream.linear.gather [hbm4b:s1+s7], $0x2000, $0x38;
	[tilespmem:$0x1EE20] =	vst v63  }
0x29: {  	s9 =	rddreg [dreg:$0xa];
	s30 =	simm.s32 $0xCBA0  }
0x2a: {  	[tilespmem:s30], [sflag:$0x6] =	stream.linear.gather [hbm4b:s9+s7], $0x2000, $0x38;
	[tilespmem:$0x1EE20] =	vst v63  }
0x2b: {  	s9 =	rddreg [dreg:$0xb]  }
0x2c: {  	[tilespmem:s31], [sflag:$0x7] =	stream.linear.gather [hbm4b:s9+s7], $0x2000, $0x38;
	[tilespmem:$0x1EE20] =	vst v63  }
0x2d: {  	s1 =	simm.s32 $0x40;
	s30 =	rddreg [dreg:$0xc];
	s9 =	simm.s32 $0x0  }
0x2e: {  	[tilespmem:s29], [sflag:$0xA] =	stream.linear.gather [hbm4b:s30+s7], $0xC80, $0x38;
	[tilespmem:$0x1EE20] =	vst v63  }
.LBB2_2:
0x2f: {  	p0 =	sne.s32 s1, $0x6180;
	[tilespmem:s9+$0x9330] =	vst v0;
	s9 =	smov.u32 s1;
	s1 =	sadd.s32 $0x40, s1  }
.Ltmp0:
0x30: {  	(pc) =	sbr.rel @p0 .LBB2_2-.Ltmp0, $2  }
0x31: {  	_ =	sdelay $0x2  }
0x32: {  	s9 =	sshra.s32 s9, $0x2  }
0x33: {  	[tilespmem:s9+$0x9330] =	vst v0;
	s30 =	simm.s32 $0x9330  }
0x34: {  	[spmem:s11] =	stream.linear.scatter [tilespmem:s30], [sflag:$0x9], $0x1870, $0x38;
	[tilespmem:$0x1EE20] =	vst v63  }
0x35: {  	s1 =	rddreg [dreg:$0xe]  }
0x36: {  	[spmem:s1] =	stream.linear.scatter [tilespmem:s30], [sflag:$0x9], $0x1870, $0x38;
	[tilespmem:$0x1EE20] =	vst v63  }
0x37: {  	_ = 	snop  }
0x38: {  	[spmem:s21] =	stream.linear.scatter [tilespmem:s30], [sflag:$0x9], $0x1870, $0x38;
	[tilespmem:$0x1EE20] =	vst v63  }
0x39: {  	s21 =	rddreg [dreg:$0x10]  }
0x3a: {  	[spmem:s21] =	stream.linear.scatter [tilespmem:s30], [sflag:$0x9], $0x1870, $0x38;
	[tilespmem:$0x1EE20] =	vst v63  }
0x3b: {  	s30 =	simm.s32 $0xA  }
0x3c: {  	_ =	swait.ge [sflag:s30], $0xC80  }
0x3d: {  	[sflag:s30] =	ssyncset.done $0x0  }
0x3e: {  	s1 =	simm.s32 $0x0;
	[sflag:s30] =	ssyncadd.s32 $0xFFFFF380  }
0x3f: {  	v1 =	vld [tilespmem:s1+$0x7A30]  }
0x40: {  	s9 =	simm.s32 $0x40  }
.LBB2_4:
0x41: {  	p0 =	sne.s32 s9, $0x31C0  }
.Ltmp1:
0x42: {  	_ = 	snop;
	(pc) =	sbr.rel @p0 .LBB2_4-.Ltmp1, $4  }
0x43: {  	_ = 	snop  }
0x44: {  	s11 =	sshra.s32 s9, $0x2;
	s9 =	sadd.s32 $0x40, s9;
	v2 =	vsub.f32 $1.000000000e+00, v1  }
0x45: {  	v1 =	vld [tilespmem:s11+$0x7A30]  }
0x46: {  	[tilespmem:s1+$0x86B0] =	vst v2;
	s1 =	smov.u32 s11  }
0x47: {  	_ =	sdelay $0x2  }
0x48: {  	v1 =	vsub.f32 $1.000000000e+00, v1;
	_ =	sdelay $0x1  }
0x49: {  	s21 =	rddreg [dreg:$0x11];
	[tilespmem:s1+$0x86B0] =	vst v1  }
0x4a: {  	[spmem:s21] =	stream.linear.scatter [tilespmem:s29], [sflag:$0x9], $0xC80, $0x38;
	[tilespmem:$0x1EE20] =	vst v63  }
0x4b: {  	s30 =	rddreg [dreg:$0x18];
	s9 =	simm.s32 $0x86B0;
	s11 =	simm.s32 $0x9  }
0x4c: {  	[spmem:s30] =	stream.linear.scatter [tilespmem:s9], [sflag:$0x9], $0xC80, $0x38;
	[tilespmem:$0x1EE20] =	vst v63  }
0x4d: {  	_ =	swait.ge [sflag:s11], $0x1870  }
0x4e: {  	[sflag:s11] =	ssyncset.done $0x0  }
0x4f: {  	[sflag:s11] =	ssyncadd.s32 $0xFFFFE790  }
0x50: {  	_ =	swait.ge [sflag:s11], $0x1870  }
0x51: {  	[sflag:s11] =	ssyncset.done $0x0  }
0x52: {  	[sflag:s11] =	ssyncadd.s32 $0xFFFFE790  }
0x53: {  	_ =	swait.ge [sflag:s11], $0x1870  }
0x54: {  	[sflag:s11] =	ssyncset.done $0x0  }
0x55: {  	[sflag:s11] =	ssyncadd.s32 $0xFFFFE790  }
0x56: {  	_ =	swait.ge [sflag:s11], $0x1870  }
0x57: {  	[sflag:s11] =	ssyncset.done $0x0  }
0x58: {  	[sflag:s11] =	ssyncadd.s32 $0xFFFFE790  }
0x59: {  	_ =	swait.ge [sflag:s11], $0xC80  }
0x5a: {  	[sflag:s11] =	ssyncset.done $0x0  }
0x5b: {  	[sflag:s11] =	ssyncadd.s32 $0xFFFFF380  }
0x5c: {  	_ =	swait.ge [sflag:s11], $0xC80  }
0x5d: {  	[sflag:s11] =	ssyncset.done $0x0  }
0x5e: {  	[sflag:s11] =	ssyncadd.s32 $0xFFFFF380  }
0x5f: {  	s21 =	simm.s32 $0x5;
	[bflag:$0x0] =	sbarrier.arrive $0xFFFF  }
0x60: {  	_ =	swait.ge [sflag:s21], $0x2000  }
0x61: {  	[sflag:s21] =	ssyncset.done $0x0  }
0x62: {  	s29 =	simm.s32 $0x0;
	s30 =	simm.s32 $0x12BA0;
	[sflag:s21] =	ssyncadd.s32 $0xFFFFE000  }
0x63: {  	[tilespmem:s30], [sflag:$0x1] =	stream.indirect.gather [spmem:s6], $0x1, s22, s12, $0xb8;
	[tilespmem:$0x1EE20] =	vst v63  }
.LBB2_6:
0x64: {  	s21 =	sshll.u32 s29, $0xE;
	p0 =	seq.s32 s29, $0x2  }
0x65: {  	_ =	swait.ge [sflag:s14], $0x2000;
	s1 =	sadd.s32 @!p0 s21, s18  }
0x66: {  	[sflag:s14] =	ssyncset.done $0x0;
	s9 =	simm.s32 @!p0 $0x0;
	s1 =	sshrl.u32 @!p0 s1, $0x3  }
0x67: {  	s11 =	simm.s32 @!p0 $0xABA0;
	[sflag:s14] =	ssyncadd.s32 $0xFFFFE000;
	s1 =	sadd.s32 @!p0 s8, s1  }
0x68: {  	[tilespmem:s11], [sflag:$0x5] =	stream.linear.gather @!p0 [hbm4b:s1+s9], $0x2000, $0x38;
	[tilespmem:$0x1EE20] =	vst v63  }
0x69: {  	_ =	swait.ge [sflag:s16], $0x2000  }
0x6a: {  	s22 =	simm.s32 $0x14BA0;
	[sflag:s16] =	ssyncset.done $0x0  }
0x6b: {  	s30 =	simm.s32 $0x0;
	s11 =	simm.s32 $0xCBA0;
	[sflag:s16] =	ssyncadd.s32 $0xFFFFE000  }
0x6c: {  	[tilespmem:s22], [sflag:$0x2] =	stream.indirect.gather [spmem:s6], $0x1, s11, s12, $0xb8;
	[tilespmem:$0x1EE20] =	vst v63  }
0x6d: {  	v11 =	vld [tilespmem:s30+$0x12BD0];
	_ =	sdelay $0x2  }
0x6e: {  	v14 =	vld [tilespmem:s30+$0x12BA0]  }
0x6f: {  	v10 =	vld [tilespmem:s30+$0x12BB0]  }
0x70: {  	v4 =	vld [tilespmem:s30+$0x12BC0];
	v1 =	vmul.f32 $2.297396660e+00, v11;
	_ =	sdelay $0x1  }
0x71: {  	s22 =	simm.s32 $0x40;
	v1 =	vmul.f32 $1.442695020e+00, v1  }
0x72: {  	v9 =	vld [tilespmem:s22+$0x12BD0];
	v2 =	vmul.f32 $2.297396660e+00, v14  }
0x73: {  	v6 =	vld [tilespmem:s22+$0x12BA0];
	v3 =	vmul.f32 $2.297396660e+00, v10;
	(erf) = vpow2.f32 v1  }
0x74: {  	v7 =	vld [tilespmem:s22+$0x12BC0];
	v5 =	vmul.f32 $2.297396660e+00, v4;
	v8 =	vmul.f32 $1.442695020e+00, v2  }
0x75: {  	v2 =	vld [tilespmem:s22+$0x12BB0];
	v1 =	vmul.f32 $1.442695020e+00, v3  }
0x76: {  	v3 =	vmul.f32 $1.442695020e+00, v5;
	(erf) = vpow2.f32 v8  }
0x77: {  	(erf) = vpow2.f32 v1;
	v1 =	vmul.f32 $2.297396660e+00, v9  }
0x78: {  	s9 =	simm.s32 $0x80;
	(erf) = vpow2.f32 v3  }
0x79: {  	v8 =	vld [tilespmem:s9+$0x12BD0];
	v3 =	vmul.f32 $2.297396660e+00, v6;
	v1 =	vmul.f32 $1.442695020e+00, v1  }
0x7a: {  	v13 =	vmul.f32 $2.297396660e+00, v7;
	v12 =	vmul.f32 $2.297396660e+00, v2  }
0x7b: {  	v5 =	vld [tilespmem:s9+$0x12BA0];
	v3 =	vmul.f32 $1.442695020e+00, v3;
	(erf) = vpow2.f32 v1  }
0x7c: {  	v13 =	vmul.f32 $1.442695020e+00, v13;
	v12 =	vmul.f32 $1.442695020e+00, v12;
	v1 =	vld [tilespmem:s9+$0x12BB0];
	v15 =	vpop (erf)  }
0x7d: {  	(erf) = vpow2.f32 v3;
	v3 =	vld [tilespmem:s9+$0x12BC0];
	v11 =	vmul.f32 v15, v11  }
0x7e: {  	v16 =	vmul.f32 $2.297396660e+00, v8;
	(erf) = vpow2.f32 v12  }
0x7f: {  	[tilespmem:s30+$0x1ABD0] =	vst v15;
	v17 =	vpop (erf);
	(erf) = vpow2.f32 v13  }
0x80: {  	v16 =	vmul.f32 $1.442695020e+00, v16;
	v12 =	vpop (erf);
	v15 =	vmul.f32 v17, v14;
	[tilespmem:s30+$0x1ABA0] =	vst v17  }
0x81: {  	s1 =	simm.s32 $0x400;
	s11 =	simm.s32 $0xC0;
	v13 =	vmul.f32 $2.297396660e+00, v5;
	v14 =	vmul.f32 $2.297396660e+00, v1;
	[tilespmem:s30+$0x16BD0] =	vst v11;
	v11 =	vpop (erf)  }
.LBB2_7:
0x82: {  	p1 =	sne.s32 s1, $0x7F00;
	v17 =	vld [tilespmem:s11+$0x12BD0];
	v18 =	vmul.f32 $2.297396660e+00, v3;
	[tilespmem:s30+$0x16BA0] =	vst v15;
	v15 =	vmul.f32 v12, v10;
	v10 =	vmovc v2;
	v2 =	vmovc v1;
	v19 =	vmov v3  }
0x83: {  	v13 =	vmul.f32 $1.442695020e+00, v13;
	v20 =	vld [tilespmem:s11+$0x12BA0];
	(erf) = vpow2.f32 v16;
	[tilespmem:s30+$0x1ABB0] =	vst v12  }
0x84: {  	v21 =	vmul.f32 $1.442695020e+00, v14;
	v1 =	vld [tilespmem:s11+$0x12BB0];
	v14 =	vmul.f32 $1.442695020e+00, v18;
	v16 =	vpop (erf);
	[tilespmem:s30+$0x16BB0] =	vst v15  }
.Ltmp2:
0x85: {  	v3 =	vld [tilespmem:s11+$0x12BC0];
	(erf) = vpow2.f32 v13;
	v13 =	vmul.f32 v16, v9;
	[tilespmem:s30+$0x1ABC0] =	vst v11;
	v9 =	vmov v8;
	(pc) =	sbr.rel @p1 .LBB2_7-.Ltmp2, $4  }
0x86: {  	(erf) = vpow2.f32 v21;
	[tilespmem:s22+$0x1ABD0] =	vst v16;
	v18 =	vpop (erf);
	v16 =	vmul.f32 v11, v4;
	v4 =	vmov v7  }
0x87: {  	v21 =	vmul.f32 $2.297396660e+00, v17;
	(erf) = vpow2.f32 v14;
	[tilespmem:s22+$0x16BD0] =	vst v13;
	v12 =	vpop (erf);
	v8 =	vmov v17  }
0x88: {  	v15 =	vmul.f32 v18, v6;
	v6 =	vmov v5;
	v13 =	vmul.f32 $2.297396660e+00, v20;
	v11 =	vpop (erf);
	[tilespmem:s30+$0x16BC0] =	vst v16;
	s30 =	smov.u32 s22;
	s22 =	smov.u32 s9;
	s9 =	smov.u32 s11  }
0x89: {  	v7 =	vmovc v19;
	s11 =	sshra.s32 s1, $0x2;
	s1 =	sadd.s32 $0x100, s1;
	v5 =	vmov v20;
	v14 =	vmul.f32 $2.297396660e+00, v1;
	v16 =	vmul.f32 $1.442695020e+00, v21;
	[tilespmem:s30+$0x1ABA0] =	vst v18  }
0x8a: {  	v17 =	vld [tilespmem:s11+$0x12BD0];
	[tilespmem:s30+$0x16BA0] =	vst v15;
	v10 =	vmul.f32 v12, v10;
	v13 =	vmul.f32 $1.442695020e+00, v13  }
0x8b: {  	v4 =	vmul.f32 v11, v4;
	v15 =	vld [tilespmem:s11+$0x12BA0];
	[tilespmem:s30+$0x1ABB0] =	vst v12;
	(erf) = vpow2.f32 v16  }
0x8c: {  	v14 =	vmul.f32 $1.442695020e+00, v14;
	v12 =	vld [tilespmem:s11+$0x12BB0];
	[tilespmem:s30+$0x16BB0] =	vst v10;
	v10 =	vmul.f32 $2.297396660e+00, v3;
	v16 =	vpop (erf)  }
0x8d: {  	(erf) = vpow2.f32 v13;
	v18 =	vld [tilespmem:s11+$0x12BC0];
	v9 =	vmul.f32 v16, v9;
	[tilespmem:s30+$0x1ABC0] =	vst v11  }
0x8e: {  	[tilespmem:s22+$0x1ABD0] =	vst v16;
	v10 =	vmul.f32 $1.442695020e+00, v10;
	v11 =	vpop (erf);
	(erf) = vpow2.f32 v14  }
0x8f: {  	v13 =	vmul.f32 $2.297396660e+00, v17;
	[tilespmem:s22+$0x16BD0] =	vst v9;
	v6 =	vmul.f32 v11, v6  }
0x90: {  	[tilespmem:s30+$0x16BC0] =	vst v4;
	(erf) = vpow2.f32 v10;
	v10 =	vmul.f32 $2.297396660e+00, v15  }
0x91: {  	v4 =	vpop (erf);
	v9 =	vmul.f32 $1.442695020e+00, v13;
	[tilespmem:s22+$0x1ABA0] =	vst v11  }
0x92: {  	[tilespmem:s22+$0x16BA0] =	vst v6;
	v2 =	vmul.f32 v4, v2  }
0x93: {  	v11 =	vmul.f32 $2.297396660e+00, v12;
	[tilespmem:s22+$0x1ABB0] =	vst v4;
	v6 =	vpop (erf);
	(erf) = vpow2.f32 v9  }
0x94: {  	v4 =	vmul.f32 $2.297396660e+00, v18;
	v9 =	vmul.f32 $1.442695020e+00, v10;
	[tilespmem:s22+$0x16BB0] =	vst v2;
	v10 =	vpop (erf)  }
0x95: {  	v2 =	vmul.f32 $1.442695020e+00, v11;
	[tilespmem:s22+$0x1ABC0] =	vst v6;
	v8 =	vmul.f32 v10, v8  }
0x96: {  	v6 =	vmul.f32 v6, v7;
	(erf) = vpow2.f32 v9;
	[tilespmem:s9+$0x1ABD0] =	vst v10;
	v7 =	vpop (erf)  }
0x97: {  	(erf) = vpow2.f32 v2;
	v2 =	vmul.f32 v7, v5;
	[tilespmem:s9+$0x16BD0] =	vst v8  }
0x98: {  	v4 =	vmul.f32 $1.442695020e+00, v4;
	[tilespmem:s22+$0x16BC0] =	vst v6  }
0x99: {  	v5 =	vpop (erf);
	[tilespmem:s9+$0x1ABA0] =	vst v7  }
0x9a: {  	(erf) = vpow2.f32 v4;
	v1 =	vmul.f32 v5, v1;
	[tilespmem:s9+$0x16BA0] =	vst v2  }
0x9b: {  	[tilespmem:s9+$0x1ABB0] =	vst v5;
	v2 =	vpop (erf)  }
0x9c: {  	[tilespmem:s9+$0x16BB0] =	vst v1;
	v4 =	vpop (erf)  }
0x9d: {  	[tilespmem:s9+$0x1ABC0] =	vst v2;
	v2 =	vmul.f32 v2, v3;
	v1 =	vmul.f32 v4, v17  }
0x9e: {  	[tilespmem:s11+$0x1ABD0] =	vst v4  }
0x9f: {  	v3 =	vpop (erf);
	[tilespmem:s11+$0x16BD0] =	vst v1  }
0xa0: {  	v1 =	vmul.f32 v3, v15;
	[tilespmem:s9+$0x16BC0] =	vst v2  }
0xa1: {  	v2 =	vpop (erf);
	[tilespmem:s11+$0x1ABA0] =	vst v3  }
0xa2: {  	[tilespmem:s11+$0x16BA0] =	vst v1;
	v1 =	vmul.f32 v2, v12  }
0xa3: {  	v3 =	vpop (erf);
	[tilespmem:s11+$0x1ABB0] =	vst v2  }
0xa4: {  	[tilespmem:s11+$0x16BB0] =	vst v1;
	v1 =	vmul.f32 v3, v18  }
0xa5: {  	[tilespmem:s11+$0x1ABC0] =	vst v3  }
0xa6: {  	[tilespmem:s11+$0x16BC0] =	vst v1  }
0xa7: {  	_ =	swait.ge [sflag:s28], $0x2000  }
0xa8: {  	p1 =	seq.s32 s29, $0x0;
	[sflag:s28] =	ssyncset.done $0x0  }
0xa9: {  	s1 =	simm.s32 @!p1 $0x4;
	[sflag:s28] =	ssyncadd.s32 $0xFFFFE000  }
0xaa: {  	_ =	swait.ge @!p1 [sflag:s1], $0x2000  }
0xab: {  	[sflag:s1] =	ssyncset.done @!p1 $0x0  }
0xac: {  	s22 =	rddreg [dreg:$0x8];
	[sflag:s1] =	ssyncadd.s32 @!p1 $0xFFFFE000  }
0xad: {  	s9 =	sadd.s32 s21, s22;
	_ =	swait.ge @!p1 [sflag:s1], $0x2000  }
0xae: {  	s9 =	sshrl.u32 s9, $0x3;
	[sflag:s1] =	ssyncset.done @!p1 $0x0  }
0xaf: {  	s9 =	sadd.s32 s0, s9;
	[sflag:s1] =	ssyncadd.s32 @!p1 $0xFFFFE000  }
0xb0: {  	[tilespmem:s2], [sflag:$0x8] =	stream.linear.gather [hbm4b:s9+s7], $0x2000, $0x38;
	[tilespmem:$0x1EE20] =	vst v63  }
0xb1: {  	s11 =	simm.s32 $0x16BA0  }
0xb2: {  	[spmem:s4] =	stream.indirect.scatter.add.f32 [tilespmem:s11], [sflag:$0x3], $0x1, s31, s12, $0xb8;
	[tilespmem:$0x1EE20] =	vst v63  }
0xb3: {  	s22 =	simm.s32 $0x1ABA0  }
0xb4: {  	[spmem:s5] =	stream.indirect.scatter.add.f32 [tilespmem:s22], [sflag:$0x3], $0x1, s31, s12, $0xb8;
	[tilespmem:$0x1EE20] =	vst v63  }
0xb5: {  	s1 =	sadd.s32 @!p0 s21, s19;
	_ =	swait.ge [sflag:s23], $0x2000  }
0xb6: {  	s1 =	sshrl.u32 @!p0 s1, $0x3;
	s9 =	simm.s32 @!p0 $0x0;
	[sflag:s23] =	ssyncset.done $0x0  }
0xb7: {  	s1 =	sadd.s32 @!p0 s8, s1;
	s11 =	simm.s32 @!p0 $0xCBA0;
	[sflag:s23] =	ssyncadd.s32 $0xFFFFE000  }
0xb8: {  	[tilespmem:s11], [sflag:$0x6] =	stream.linear.gather @!p0 [hbm4b:s1+s9], $0x2000, $0x38;
	[tilespmem:$0x1EE20] =	vst v63  }
0xb9: {  	s1 =	simm.s32 @!p0 $0x5  }
0xba: {  	_ =	swait.ge @!p0 [sflag:s1], $0x2000  }
0xbb: {  	s30 =	simm.s32 $0x0;
	s9 =	simm.s32 @!p0 $0xABA0;
	[sflag:s1] =	ssyncset.done @!p0 $0x0  }
0xbc: {  	s11 =	simm.s32 @!p0 $0x12BA0;
	[sflag:s1] =	ssyncadd.s32 @!p0 $0xFFFFE000;
	s1 =	simm.s32 @!p0 $0x2000  }
0xbd: {  	[tilespmem:s11], [sflag:$0x1] =	stream.indirect.gather @!p0 [spmem:s6], $0x1, s9, s1, $0xb8;
	[tilespmem:$0x1EE20] =	vst v63  }
0xbe: {  	v11 =	vld [tilespmem:s30+$0x14BD0];
	_ =	sdelay $0x2  }
0xbf: {  	v14 =	vld [tilespmem:s30+$0x14BA0]  }
0xc0: {  	v10 =	vld [tilespmem:s30+$0x14BB0]  }
0xc1: {  	v4 =	vld [tilespmem:s30+$0x14BC0];
	v1 =	vmul.f32 $2.297396660e+00, v11;
	_ =	sdelay $0x1  }
0xc2: {  	s9 =	simm.s32 $0x40;
	v1 =	vmul.f32 $1.442695020e+00, v1  }
0xc3: {  	v9 =	vld [tilespmem:s9+$0x14BD0];
	v2 =	vmul.f32 $2.297396660e+00, v14  }
0xc4: {  	v6 =	vld [tilespmem:s9+$0x14BA0];
	v3 =	vmul.f32 $2.297396660e+00, v10;
	(erf) = vpow2.f32 v1  }
0xc5: {  	v7 =	vld [tilespmem:s9+$0x14BC0];
	v5 =	vmul.f32 $2.297396660e+00, v4;
	v8 =	vmul.f32 $1.442695020e+00, v2  }
0xc6: {  	v2 =	vld [tilespmem:s9+$0x14BB0];
	v1 =	vmul.f32 $1.442695020e+00, v3  }
0xc7: {  	v3 =	vmul.f32 $1.442695020e+00, v5;
	(erf) = vpow2.f32 v8  }
0xc8: {  	(erf) = vpow2.f32 v1;
	v1 =	vmul.f32 $2.297396660e+00, v9  }
0xc9: {  	s22 =	simm.s32 $0x80;
	(erf) = vpow2.f32 v3  }
0xca: {  	v8 =	vld [tilespmem:s22+$0x14BD0];
	v3 =	vmul.f32 $2.297396660e+00, v6;
	v1 =	vmul.f32 $1.442695020e+00, v1  }
0xcb: {  	v13 =	vmul.f32 $2.297396660e+00, v7;
	v12 =	vmul.f32 $2.297396660e+00, v2  }
0xcc: {  	v5 =	vld [tilespmem:s22+$0x14BA0];
	v3 =	vmul.f32 $1.442695020e+00, v3;
	(erf) = vpow2.f32 v1  }
0xcd: {  	v13 =	vmul.f32 $1.442695020e+00, v13;
	v12 =	vmul.f32 $1.442695020e+00, v12;
	v1 =	vld [tilespmem:s22+$0x14BB0];
	v15 =	vpop (erf)  }
0xce: {  	(erf) = vpow2.f32 v3;
	v3 =	vld [tilespmem:s22+$0x14BC0];
	v11 =	vmul.f32 v15, v11  }
0xcf: {  	v16 =	vmul.f32 $2.297396660e+00, v8;
	(erf) = vpow2.f32 v12  }
0xd0: {  	[tilespmem:s30+$0x1CBD0] =	vst v15;
	v17 =	vpop (erf);
	(erf) = vpow2.f32 v13  }
0xd1: {  	v16 =	vmul.f32 $1.442695020e+00, v16;
	v12 =	vpop (erf);
	v15 =	vmul.f32 v17, v14;
	[tilespmem:s30+$0x1CBA0] =	vst v17  }
0xd2: {  	s11 =	simm.s32 $0xC0;
	s1 =	simm.s32 $0x400;
	v13 =	vmul.f32 $2.297396660e+00, v5;
	v14 =	vmul.f32 $2.297396660e+00, v1;
	[tilespmem:s30+$0x18BD0] =	vst v11;
	v11 =	vpop (erf)  }
.LBB2_9:
0xd3: {  	p1 =	sne.s32 s1, $0x7F00;
	v17 =	vld [tilespmem:s11+$0x14BD0];
	v18 =	vmul.f32 $2.297396660e+00, v3;
	[tilespmem:s30+$0x18BA0] =	vst v15;
	v15 =	vmul.f32 v12, v10;
	v10 =	vmovc v2;
	v2 =	vmovc v1;
	v19 =	vmov v3  }
0xd4: {  	v13 =	vmul.f32 $1.442695020e+00, v13;
	v20 =	vld [tilespmem:s11+$0x14BA0];
	(erf) = vpow2.f32 v16;
	[tilespmem:s30+$0x1CBB0] =	vst v12  }
0xd5: {  	v21 =	vmul.f32 $1.442695020e+00, v14;
	v1 =	vld [tilespmem:s11+$0x14BB0];
	v14 =	vmul.f32 $1.442695020e+00, v18;
	v16 =	vpop (erf);
	[tilespmem:s30+$0x18BB0] =	vst v15  }
.Ltmp3:
0xd6: {  	v3 =	vld [tilespmem:s11+$0x14BC0];
	(erf) = vpow2.f32 v13;
	v13 =	vmul.f32 v16, v9;
	[tilespmem:s30+$0x1CBC0] =	vst v11;
	v9 =	vmov v8;
	(pc) =	sbr.rel @p1 .LBB2_9-.Ltmp3, $4  }
0xd7: {  	(erf) = vpow2.f32 v21;
	[tilespmem:s9+$0x1CBD0] =	vst v16;
	v18 =	vpop (erf);
	v16 =	vmul.f32 v11, v4;
	v4 =	vmov v7  }
0xd8: {  	v21 =	vmul.f32 $2.297396660e+00, v17;
	(erf) = vpow2.f32 v14;
	[tilespmem:s9+$0x18BD0] =	vst v13;
	v12 =	vpop (erf);
	v8 =	vmov v17  }
0xd9: {  	v15 =	vmul.f32 v18, v6;
	v6 =	vmov v5;
	v13 =	vmul.f32 $2.297396660e+00, v20;
	v11 =	vpop (erf);
	[tilespmem:s30+$0x18BC0] =	vst v16;
	s30 =	smov.u32 s9;
	s9 =	smov.u32 s22;
	s22 =	smov.u32 s11  }
0xda: {  	v7 =	vmovc v19;
	s11 =	sshra.s32 s1, $0x2;
	s1 =	sadd.s32 $0x100, s1;
	v5 =	vmov v20;
	v14 =	vmul.f32 $2.297396660e+00, v1;
	v16 =	vmul.f32 $1.442695020e+00, v21;
	[tilespmem:s30+$0x1CBA0] =	vst v18  }
0xdb: {  	v17 =	vld [tilespmem:s11+$0x14BD0];
	[tilespmem:s30+$0x18BA0] =	vst v15;
	v10 =	vmul.f32 v12, v10  }
0xdc: {  	v13 =	vmul.f32 $1.442695020e+00, v13;
	v15 =	vld [tilespmem:s11+$0x14BA0];
	[tilespmem:s30+$0x1CBB0] =	vst v12;
	(erf) = vpow2.f32 v16  }
0xdd: {  	v49 =	vmul.f32 $2.297396660e+00, v3;
	v12 =	vld [tilespmem:s11+$0x14BB0];
	[tilespmem:s30+$0x18BB0] =	vst v10;
	v50 =	vpop (erf)  }
0xde: {  	(erf) = vpow2.f32 v13;
	v18 =	vld [tilespmem:s11+$0x14BC0];
	v9 =	vmul.f32 v50, v9;
	[tilespmem:s30+$0x1CBC0] =	vst v11  }
0xdf: {  	v4 =	vmul.f32 v11, v4;
	v14 =	vmul.f32 $1.442695020e+00, v14;
	[tilespmem:s9+$0x1CBD0] =	vst v50  }
0xe0: {  	v10 =	vmul.f32 $1.442695020e+00, v49;
	v51 =	vpop (erf);
	v52 =	vmul.f32 $2.297396660e+00, v17;
	[tilespmem:s9+$0x18BD0] =	vst v9  }
0xe1: {  	(erf) = vpow2.f32 v14;
	v6 =	vmul.f32 v51, v6;
	[tilespmem:s30+$0x18BC0] =	vst v4  }
0xe2: {  	(erf) = vpow2.f32 v10;
	v53 =	vpop (erf);
	v54 =	vmul.f32 $1.442695020e+00, v52;
	[tilespmem:s9+$0x1CBA0] =	vst v51  }
0xe3: {  	v55 =	vmul.f32 $2.297396660e+00, v15;
	v2 =	vmul.f32 v53, v2;
	[tilespmem:s9+$0x18BA0] =	vst v6  }
0xe4: {  	v56 =	vpop (erf);
	v57 =	vmul.f32 $2.297396660e+00, v12;
	[tilespmem:s9+$0x1CBB0] =	vst v53;
	(erf) = vpow2.f32 v54  }
0xe5: {  	[tilespmem:s9+$0x1CBC0] =	vst v56;
	v6 =	vmul.f32 v56, v7;
	v59 =	vmul.f32 $1.442695020e+00, v55;
	v60 =	vpop (erf)  }
0xe6: {  	[tilespmem:s9+$0x18BB0] =	vst v2;
	v2 =	vmul.f32 $1.442695020e+00, v57;
	v8 =	vmul.f32 v60, v8  }
0xe7: {  	v58 =	vmul.f32 $2.297396660e+00, v18;
	(erf) = vpow2.f32 v59;
	[tilespmem:s22+$0x1CBD0] =	vst v60;
	v61 =	vpop (erf)  }
0xe8: {  	(erf) = vpow2.f32 v2;
	v2 =	vmul.f32 v61, v5;
	[tilespmem:s22+$0x18BD0] =	vst v8  }
0xe9: {  	v4 =	vmul.f32 $1.442695020e+00, v58;
	[tilespmem:s9+$0x18BC0] =	vst v6  }
0xea: {  	v62 =	vpop (erf);
	[tilespmem:s22+$0x1CBA0] =	vst v61  }
0xeb: {  	(erf) = vpow2.f32 v4;
	v1 =	vmul.f32 v62, v1;
	[tilespmem:s22+$0x18BA0] =	vst v2  }
0xec: {  	[tilespmem:s22+$0x1CBB0] =	vst v62;
	v2 =	vpop (erf)  }
0xed: {  	[tilespmem:s22+$0x18BB0] =	vst v1;
	v63 =	vpop (erf)  }
0xee: {  	[tilespmem:s22+$0x1CBC0] =	vst v2;
	v2 =	vmul.f32 v2, v3;
	v1 =	vmul.f32 v63, v17  }
0xef: {  	[tilespmem:s11+$0x1CBD0] =	vst v63  }
0xf0: {  	v3 =	vpop (erf);
	[tilespmem:s11+$0x18BD0] =	vst v1  }
0xf1: {  	v1 =	vmul.f32 v3, v15;
	[tilespmem:s22+$0x18BC0] =	vst v2  }
0xf2: {  	v2 =	vpop (erf);
	[tilespmem:s11+$0x1CBA0] =	vst v3  }
0xf3: {  	[tilespmem:s11+$0x18BA0] =	vst v1;
	v1 =	vmul.f32 v2, v12  }
0xf4: {  	v3 =	vpop (erf);
	[tilespmem:s11+$0x1CBB0] =	vst v2  }
0xf5: {  	[tilespmem:s11+$0x18BB0] =	vst v1;
	v1 =	vmul.f32 v3, v18  }
0xf6: {  	[tilespmem:s11+$0x1CBC0] =	vst v3  }
0xf7: {  	[tilespmem:s11+$0x18BC0] =	vst v1  }
0xf8: {  	_ =	swait.ge [sflag:s26], $0x2000  }
0xf9: {  	[sflag:s26] =	ssyncset.done $0x0  }
0xfa: {  	[sflag:s26] =	ssyncadd.s32 $0xFFFFE000  }
0xfb: {  	_ =	swait.ge [sflag:s17], $0x2000  }
.Ltmp4:
0xfc: {  	[sflag:s17] =	ssyncset.done $0x0;
	(pc) =	sbr.rel @p0 .LBB2_12-.Ltmp4, $4  }
0xfd: {  	[sflag:s17] =	ssyncadd.s32 $0xFFFFE000  }
0xfe: {  	_ =	swait.ge [sflag:s17], $0x2000  }
0xff: {  	[sflag:s17] =	ssyncset.done $0x0  }
0x100: {  	[sflag:s17] =	ssyncadd.s32 $0xFFFFE000  }
0x101: {  	s1 =	sadd.s32 s21, s18  }
0x102: {  	s1 =	sshrl.u32 s1, $0x3  }
0x103: {  	s1 =	sadd.s32 s0, s1  }
0x104: {  	[tilespmem:s31], [sflag:$0x7] =	stream.linear.gather [hbm4b:s1+s7], $0x2000, $0x38;
	[tilespmem:$0x1EE20] =	vst v63  }
.Ltmp5:
0x105: {  	_ = 	snop;
	(pc) =	sbr.rel .LBB2_6-.Ltmp5, $4  }
0x106: {  	s22 =	simm.s32 $0x18BA0  }
0x107: {  	[spmem:s4] =	stream.indirect.scatter.add.f32 [tilespmem:s22], [sflag:$0x4], $0x1, s2, s12, $0xb8;
	[tilespmem:$0x1EE20] =	vst v63  }
0x108: {  	s30 =	simm.s32 $0x1CBA0;
	s29 =	sadd.s32 $0x1, s29  }
0x109: {  	[spmem:s5] =	stream.indirect.scatter.add.f32 [tilespmem:s30], [sflag:$0x4], $0x1, s2, s12, $0xb8;
	[tilespmem:$0x1EE20] =	vst v63  }
.LBB2_12:
0x10a: {  	s1 =	simm.s32 $0x18BA0  }
0x10b: {  	[spmem:s4] =	stream.indirect.scatter.add.f32 [tilespmem:s1], [sflag:$0x4], $0x1, s2, s12, $0xb8;
	[tilespmem:$0x1EE20] =	vst v63  }
0x10c: {  	s22 =	simm.s32 $0x1CBA0;
	s29 =	simm.s32 $0x4  }
0x10d: {  	[spmem:s5] =	stream.indirect.scatter.add.f32 [tilespmem:s22], [sflag:$0x4], $0x1, s2, s12, $0xb8;
	[tilespmem:$0x1EE20] =	vst v63  }
0x10e: {  	_ =	swait.ge [sflag:s29], $0x2000  }
0x10f: {  	[sflag:s29] =	ssyncset.done $0x0  }
0x110: {  	[sflag:s29] =	ssyncadd.s32 $0xFFFFE000  }
0x111: {  	_ =	swait.ge [sflag:s29], $0x2000  }
0x112: {  	[sflag:s29] =	ssyncset.done $0x0  }
0x113: {  	s22 =	rddreg [dreg:$0x17];
	[sflag:s29] =	ssyncadd.s32 $0xFFFFE000  }
0x114: {  	[tilespmem:s15], [sflag:$0xB] =	stream.linear.gather [hbm4b:s22+s7], $0x80, $0x38;
	[tilespmem:$0x1EE20] =	vst v63  }
0x115: {  	_ =	swait.ge [sflag:s3], $0x80  }
0x116: {  	[sflag:s3] =	ssyncset.done $0x0  }
0x117: {  	s21 =	rddreg [dreg:$0x16];
	[sflag:s3] =	ssyncadd.s32 $0xFFFFFF80  }
0x118: {  	[tilespmem:s24], [sflag:$0xB] =	stream.linear.gather [hbm4b:s21+s7], $0x80, $0x38;
	[tilespmem:$0x1EE20] =	vst v63  }
0x119: {  	_ =	swait.ge [sflag:s3], $0x80  }
0x11a: {  	[sflag:s3] =	ssyncset.done $0x0  }
0x11b: {  	[sflag:s3] =	ssyncadd.s32 $0xFFFFFF80  }
0x11c: {  	[tilespmem:s20], [sflag:$0xB] =	stream.indirect.gather [spmem:s6], $0x1, s15, s25, $0xb8;
	[tilespmem:$0x1EE20] =	vst v63  }
0x11d: {  	_ =	swait.ge [sflag:s3], $0x80  }
0x11e: {  	[sflag:s3] =	ssyncset.done $0x0  }
0x11f: {  	[sflag:s3] =	ssyncadd.s32 $0xFFFFFF80  }
0x120: {  	v2 =	vld [tilespmem:$0x1ED10]  }
0x121: {  	v3 =	vld [tilespmem:$0x1ECF0];
	_ =	sdelay $0x1  }
0x122: {  	v6 =	vld [tilespmem:$0x1ECD0]  }
0x123: {  	v4 =	vld [tilespmem:$0x1ED00]  }
0x124: {  	v7 =	vld [tilespmem:$0x1ECC0];
	v1 =	vmul.f32 $2.297396660e+00, v2  }
0x125: {  	v5 =	vld [tilespmem:$0x1ECA0];
	v9 =	vmul.f32 $2.297396660e+00, v3  }
0x126: {  	v8 =	vld [tilespmem:$0x1ECB0];
	v11 =	vmul.f32 $1.442695020e+00, v1  }
0x127: {  	v9 =	vmul.f32 $1.442695020e+00, v9  }
0x128: {  	v10 =	vmul.f32 $2.297396660e+00, v6;
	(erf) = vpow2.f32 v11  }
0x129: {  	v55 =	vmul.f32 $2.297396660e+00, v7;
	v1 =	vld [tilespmem:$0x1ECE0];
	(erf) = vpow2.f32 v9  }
0x12a: {  	v12 =	vmul.f32 $2.297396660e+00, v4;
	v56 =	vmul.f32 $2.297396660e+00, v5  }
0x12b: {  	v13 =	vmul.f32 $2.297396660e+00, v8;
	v11 =	vmul.f32 $1.442695020e+00, v55  }
0x12c: {  	v12 =	vmul.f32 $1.442695020e+00, v12;
	v9 =	vmul.f32 $1.442695020e+00, v56  }
0x12d: {  	v13 =	vmul.f32 $1.442695020e+00, v13;
	(erf) = vpow2.f32 v11  }
0x12e: {  	v57 =	vmul.f32 $2.297396660e+00, v1;
	(erf) = vpow2.f32 v9  }
0x12f: {  	v58 =	vmul.f32 $1.442695020e+00, v10;
	(erf) = vpow2.f32 v13  }
0x130: {  	v59 =	vmul.f32 $1.442695020e+00, v57;
	(erf) = vpow2.f32 v12  }
0x131: {  	(erf) = vpow2.f32 v58;
	v60 =	vpop (erf)  }
0x132: {  	(erf) = vpow2.f32 v59;
	v2 =	vmul.f32 v60, v2;
	v61 =	vpop (erf)  }
0x133: {  	[tilespmem:$0x1EE10] =	vst v60;
	v3 =	vmul.f32 v61, v3  }
0x134: {  	[tilespmem:$0x1EDF0] =	vst v61  }
0x135: {  	s30 =	rddreg [dreg:$0x12];
	[tilespmem:$0x1ED90] =	vst v2  }
0x136: {  	p0 =	sne.s32 s30, $0x1;
	[tilespmem:$0x1ED70] =	vst v3;
	v2 =	vpop (erf)  }
.Ltmp6:
0x137: {  	[tilespmem:$0x1EDC0] =	vst v2;
	v3 =	vpop (erf);
	(pc) =	sbr.rel @!p0 .LBB2_14-.Ltmp6, $4  }
0x138: {  	v62 =	vmul.f32 v3, v5;
	[tilespmem:$0x1EDA0] =	vst v3;
	v63 =	vpop (erf)  }
0x139: {  	[tilespmem:$0x1EDB0] =	vst v63;
	v5 =	vpop (erf)  }
0x13a: {  	v3 =	vmul.f32 v2, v7;
	v2 =	vmul.f32 v63, v8;
	[tilespmem:$0x1ED20] =	vst v62;
	v7 =	vpop (erf)  }
0x13b: {  	s9 =	sadd.s32 $0xFFFFFFFF, s30;
	v4 =	vmul.f32 v5, v4;
	v6 =	vmul.f32 v7, v6;
	[tilespmem:$0x1EDD0] =	vst v7;
	v7 =	vpop (erf)  }
.LBB2_13:
0x13c: {  	p0 =	sne.s32 s9, $0x1;
	[tilespmem:$0x1EDE0] =	vst v7;
	s21 =	sadd.s32 $0x10, s21;
	s22 =	sadd.s32 $0x10, s22  }
0x13d: {  	s9 =	sadd.s32 $0xFFFFFFFF, s9;
	v1 =	vmul.f32 v7, v1;
	[tilespmem:$0x1EE00] =	vst v5  }
0x13e: {  	[tilespmem:$0x1ED40] =	vst v3  }
0x13f: {  	[tilespmem:$0x1ED50] =	vst v6  }
0x140: {  	[tilespmem:$0x1ED60] =	vst v1  }
0x141: {  	[tilespmem:$0x1ED80] =	vst v4  }
0x142: {  	[tilespmem:$0x1ED30] =	vst v2  }
0x143: {  	[spmem:s4] =	stream.indirect.scatter.add.f32 [tilespmem:s13], [sflag:$0xB], $0x1, s24, s25, $0xb8;
	[tilespmem:$0x1EE20] =	vst v63  }
0x144: {  	_ =	swait.ge [sflag:s3], $0x80  }
0x145: {  	[sflag:s3] =	ssyncset.done $0x0  }
0x146: {  	[sflag:s3] =	ssyncadd.s32 $0xFFFFFF80  }
0x147: {  	[spmem:s5] =	stream.indirect.scatter.add.f32 [tilespmem:s10], [sflag:$0xB], $0x1, s24, s25, $0xb8;
	[tilespmem:$0x1EE20] =	vst v63  }
0x148: {  	_ =	swait.ge [sflag:s3], $0x80  }
0x149: {  	[sflag:s3] =	ssyncset.done $0x0  }
0x14a: {  	[sflag:s3] =	ssyncadd.s32 $0xFFFFFF80  }
0x14b: {  	[tilespmem:s15], [sflag:$0xB] =	stream.linear.gather [hbm4b:s22+s7], $0x80, $0x38;
	[tilespmem:$0x1EE20] =	vst v63  }
0x14c: {  	_ =	swait.ge [sflag:s3], $0x80  }
0x14d: {  	[sflag:s3] =	ssyncset.done $0x0  }
0x14e: {  	[sflag:s3] =	ssyncadd.s32 $0xFFFFFF80  }
0x14f: {  	[tilespmem:s24], [sflag:$0xB] =	stream.linear.gather [hbm4b:s21+s7], $0x80, $0x38;
	[tilespmem:$0x1EE20] =	vst v63  }
0x150: {  	_ =	swait.ge [sflag:s3], $0x80  }
0x151: {  	[sflag:s3] =	ssyncset.done $0x0  }
0x152: {  	[sflag:s3] =	ssyncadd.s32 $0xFFFFFF80  }
0x153: {  	[tilespmem:s20], [sflag:$0xB] =	stream.indirect.gather [spmem:s6], $0x1, s15, s25, $0xb8;
	[tilespmem:$0x1EE20] =	vst v63  }
0x154: {  	_ =	swait.ge [sflag:s3], $0x80  }
0x155: {  	[sflag:s3] =	ssyncset.done $0x0  }
0x156: {  	[sflag:s3] =	ssyncadd.s32 $0xFFFFFF80  }
0x157: {  	v2 =	vld [tilespmem:$0x1ED10]  }
0x158: {  	v3 =	vld [tilespmem:$0x1ECF0]  }
0x159: {  	v6 =	vld [tilespmem:$0x1ECD0]  }
0x15a: {  	v4 =	vld [tilespmem:$0x1ED00]  }
0x15b: {  	v5 =	vld [tilespmem:$0x1ECC0]  }
0x15c: {  	v7 =	vld [tilespmem:$0x1ECA0];
	v8 =	vmul.f32 $2.297396660e+00, v2  }
0x15d: {  	v9 =	vld [tilespmem:$0x1ECB0];
	v10 =	vmul.f32 $2.297396660e+00, v3  }
0x15e: {  	v11 =	vmul.f32 $2.297396660e+00, v6;
	v1 =	vld [tilespmem:$0x1ECE0];
	v8 =	vmul.f32 $1.442695020e+00, v8  }
0x15f: {  	v10 =	vmul.f32 $1.442695020e+00, v10;
	v12 =	vmul.f32 $2.297396660e+00, v4  }
0x160: {  	v11 =	vmul.f32 $1.442695020e+00, v11;
	(erf) = vpow2.f32 v8  }
0x161: {  	v8 =	vmul.f32 $2.297396660e+00, v5;
	(erf) = vpow2.f32 v10  }
0x162: {  	v10 =	vmul.f32 $2.297396660e+00, v7;
	v13 =	vmul.f32 $2.297396660e+00, v9  }
0x163: {  	v12 =	vmul.f32 $1.442695020e+00, v12;
	v8 =	vmul.f32 $1.442695020e+00, v8  }
0x164: {  	v10 =	vmul.f32 $1.442695020e+00, v10;
	v13 =	vmul.f32 $1.442695020e+00, v13  }
0x165: {  	v14 =	vmul.f32 $2.297396660e+00, v1;
	(erf) = vpow2.f32 v8  }
0x166: {  	(erf) = vpow2.f32 v10  }
0x167: {  	v14 =	vmul.f32 $1.442695020e+00, v14;
	(erf) = vpow2.f32 v13  }
0x168: {  	(erf) = vpow2.f32 v12  }
0x169: {  	(erf) = vpow2.f32 v11;
	v10 =	vpop (erf)  }
0x16a: {  	v2 =	vmul.f32 v10, v2;
	[tilespmem:$0x1EE10] =	vst v10;
	(erf) = vpow2.f32 v14;
	v8 =	vpop (erf)  }
0x16b: {  	v3 =	vmul.f32 v8, v3;
	[tilespmem:$0x1EDF0] =	vst v8  }
0x16c: {  	[tilespmem:$0x1ED90] =	vst v2  }
0x16d: {  	[tilespmem:$0x1ED70] =	vst v3  }
0x16e: {  	v2 =	vpop (erf)  }
.Ltmp7:
0x16f: {  	v3 =	vmul.f32 v2, v5;
	[tilespmem:$0x1EDC0] =	vst v2;
	v2 =	vpop (erf);
	(pc) =	sbr.rel @p0 .LBB2_13-.Ltmp7, $4  }
0x170: {  	v8 =	vmul.f32 v2, v7;
	[tilespmem:$0x1EDA0] =	vst v2;
	v5 =	vpop (erf)  }
0x171: {  	v2 =	vmul.f32 v5, v9;
	[tilespmem:$0x1EDB0] =	vst v5;
	v5 =	vpop (erf)  }
0x172: {  	[tilespmem:$0x1ED20] =	vst v8;
	v4 =	vmul.f32 v5, v4;
	v7 =	vpop (erf)  }
0x173: {  	v6 =	vmul.f32 v7, v6;
	[tilespmem:$0x1EDD0] =	vst v7;
	v7 =	vpop (erf)  }
.LBB2_14:
0x174: {  	[tilespmem:$0x1EDE0] =	vst v7  }
0x175: {  	[tilespmem:$0x1EE00] =	vst v5  }
0x176: {  	[tilespmem:$0x1ED40] =	vst v3  }
0x177: {  	[tilespmem:$0x1ED30] =	vst v2  }
0x178: {  	v1 =	vmul.f32 v7, v1;
	[tilespmem:$0x1ED50] =	vst v6  }
0x179: {  	[tilespmem:$0x1ED80] =	vst v4  }
0x17a: {  	[tilespmem:$0x1ED60] =	vst v1  }
0x17b: {  	[spmem:s4] =	stream.indirect.scatter.add.f32 [tilespmem:s13], [sflag:$0xB], $0x1, s24, s25, $0xb8;
	[tilespmem:$0x1EE20] =	vst v63  }
0x17c: {  	_ =	swait.ge [sflag:s3], $0x80  }
0x17d: {  	[sflag:s3] =	ssyncset.done $0x0  }
0x17e: {  	[sflag:s3] =	ssyncadd.s32 $0xFFFFFF80  }
0x17f: {  	[spmem:s5] =	stream.indirect.scatter.add.f32 [tilespmem:s10], [sflag:$0xB], $0x1, s24, s25, $0xb8;
	[tilespmem:$0x1EE20] =	vst v63  }
0x180: {  	_ =	swait.ge [sflag:s3], $0x80  }
0x181: {  	[sflag:s3] =	ssyncset.done $0x0  }
0x182: {  	[sflag:s3] =	ssyncadd.s32 $0xFFFFFF80  }
0x183: {  	s1 =	stileid.u32;
	[bflag:$0x0] =	sbarrier.arrive $0xFFFF  }
0x184: {  	s1 =	sshll.u32 s1, $0x6;
	s11 =	rddreg [dreg:$0xd]  }
0x185: {  	s1 =	sor.u32 $0x1C0B, s1;
	s21 =	rddreg [dreg:$0x13];
	s9 =	sshrl.u32 s11, $0x3  }
0x186: {  	[hbm:s21], [sflag:s1] =	dma.local [spmem:s9], $0x61C  }
0x187: {  	_ =	swait.ge [sflag:s3], $0x61C  }
0x188: {  	[sflag:s3] =	ssyncset.done $0x0;
	s21 =	rddreg [dreg:$0xf]  }
0x189: {  	s22 =	rddreg [dreg:$0x14];
	[sflag:s3] =	ssyncadd.s32 $0xFFFFF9E4;
	s30 =	sshrl.u32 s21, $0x3  }
0x18a: {  	[hbm:s22], [sflag:s1] =	dma.local [spmem:s30], $0x61C  }
0x18b: {  	_ =	swait.ge [sflag:s3], $0x61C  }
0x18c: {  	s22 =	rddreg [dreg:$0x19]  }
0x18d: {  	s30 =	rddreg [dreg:$0x15];
	s9 =	sadd.s32 $0x1, s22  }
0x18e: {  	p0 =	sne.s32 s9, s30  }
.Ltmp8:
0x18f: {  	_ = 	snop;
	(pc) =	sbr.rel @p0 .LBB2_1-.Ltmp8, $3  }
0x190: {  	_ =	sdelay $0x1  }
0x191: {  	[sflag:s3] =	ssyncset.done $0x0  }
0x192: {  	s29 =	simm.s32 $0x7A30;
	[sflag:s3] =	ssyncadd.s32 $0xFFFFF9E4;
	s22 =	simm.s32 $0xABA0  }
0x193: {  	_ =	sfence.sel $0x180000  }
0x194: {  	[bflag:$0x0] =	sbarrier.arrive $0xFFFF  }
0x195: {  	_ =	strace $0x90000047  }
0x196: {  	s0 =	stileid.u32;
	[bflag:$0x2] =	sbarrier.arrive $0xFFFF  }
0x197: {  	p0 =	sne.s32 s0, $0x0;
	s0 =	rddreg [dreg:$0x7]  }
0x198: {  	s0 =	sadd.s32 @!p0 $0x100000, s0  }
0x199: {  	[sflag:s0] =	ssyncadd.tile.s32 @!p0 $0x1;
	_ =	shalt  }
.Lfunc_end2:
_tile_overlayer_lowered:
.L_overlay_start_2:
0x19a: {  	(tag) =	ssettag $0x2  }
0x19b: {  	s0 =	rddreg [dreg:$0x0];
	s2 =	stileid.u32  }
0x19c: {  	s1 =	rddreg [dreg:$0x1];
	p0 =	sne.s32 s2, $0x0  }
0x19d: {  	s3 =	rddreg [dreg:$0x2];
	[bflag:$0x3] =	sbarrier.arrive $0xFFFF;
	s2 =	simm.s32 @!p0 $0x1C0B  }
0x19e: {  	[timem:s3], [sflag:s2] =	dma.local @!p0 [hbm:s0], s1  }
0x19f: {  	s0 =	simm.s32 @!p0 $0xB  }
0x1a0: {  	_ =	swait.ge @!p0 [sflag:s0], s1  }
0x1a1: {  	s1 =	ssub.s32 @!p0 $0x0, s1;
	[sflag:s0] =	ssyncset.done @!p0 $0x0  }
0x1a2: {  	[sflag:s0] =	ssyncadd.s32 @!p0 s1  }
0x1a3: {  	[bflag:$0x3] =	sbarrier.arrive $0xFFFF  }
0x1a4: {  	_ =	shalt  }

</sc_bundles>
